<compile_context>
chip_gen: v7x
topology: tpu7x:2x2x1
jax: 0.10.2.dev20260603
libtpu: 0.0.44.dev20260713+nightly
codegen_flags: <defaults>
</compile_context>

<pallas_src>
import functools

import jax
import jax.numpy as jnp
from jax import lax
from jax.experimental import pallas as pl
from jax.experimental.pallas import tpu as pltpu
from jax.experimental.pallas import tpu_sc as plsc

_N_COMPONENTS = 1024
_EMBEDDING_DIM = 64
_BETA = 0.25
_BLK = 2048
_ROWS = 36864
_G = 1024
_NG = _ROWS // _G

_SC_CORES = 2
_SC_SUBCORES = 16
_NW = _SC_CORES * _SC_SUBCORES


def _vq_block(x_ref, cb_ref, soft_ref, idx_ref, loss_ref, c2_ref):
    @pl.when(pl.program_id(0) == 0)
    def _prologue():
        cb0 = cb_ref[...]
        c2_ref[...] = jnp.sum(cb0 * cb0, axis=0, keepdims=True)
        loss_ref[...] = jnp.zeros_like(loss_ref)

    x = x_ref[...]
    cb = cb_ref[...]
    sim = jnp.dot(x, cb, preferred_element_type=jnp.float32)
    x2 = jnp.sum(x * x, axis=1, keepdims=True)
    dist = (x2 + c2_ref[...]) - 2.0 * sim
    s = (1.0 / dist) ** 2
    soft_ref[...] = s / jnp.sum(s, axis=1, keepdims=True)
    idx_ref[...] = jnp.argmin(dist, axis=1).reshape(_BLK // _G, 8, 128)
    mind = jnp.min(dist, axis=1)
    loss_ref[...] += jnp.sum(mind).reshape(1, 1)


def _tc_part(flat, codebook):
    grid = _ROWS // _BLK
    gpb = _BLK // _G
    return pl.pallas_call(
        _vq_block,
        grid=(grid,),
        in_specs=[
            pl.BlockSpec((_BLK, _EMBEDDING_DIM), lambda i: (i, 0)),
            pl.BlockSpec((_EMBEDDING_DIM, _N_COMPONENTS), lambda i: (0, 0)),
        ],
        out_specs=[
            pl.BlockSpec((_BLK, _N_COMPONENTS), lambda i: (i, 0)),
            pl.BlockSpec((gpb, 8, 128), lambda i: (i, 0, 0)),
            pl.BlockSpec((1, 1), lambda i: (0, 0)),
        ],
        out_shape=[
            jax.ShapeDtypeStruct((_ROWS, _N_COMPONENTS), jnp.float32),
            jax.ShapeDtypeStruct((_NG, 8, 128), jnp.int32),
            jax.ShapeDtypeStruct((1, 1), jnp.float32),
        ],
        scratch_shapes=[pltpu.VMEM((1, _N_COMPONENTS), jnp.float32)],
    )(flat, codebook)


@functools.lru_cache(maxsize=None)
def _make_sc_gather():
    @functools.partial(
        pl.kernel,
        mesh=plsc.VectorSubcoreMesh(core_axis_name="c", subcore_axis_name="s"),
        out_type=jax.ShapeDtypeStruct((_ROWS, _EMBEDDING_DIM), jnp.float32),
        scratch_types=[
            pltpu.VMEM((8, 128), jnp.int32),
            pltpu.VMEM((_G, _EMBEDDING_DIM), jnp.float32),
            pltpu.SemaphoreType.DMA,
        ],
        compiler_params=pltpu.CompilerParams(use_tc_tiling_on_sc=False),
    )
    def _sc_gather(table_hbm, idx_hbm, out_hbm, idx_v, rows_v, sem):
        wid = lax.axis_index("s") * _SC_CORES + lax.axis_index("c")
        for g0 in (0, _NW):
            g = wid + g0

            @pl.when(g < _NG)
            def _do():
                pltpu.sync_copy(idx_hbm.at[g], idx_v)
                copies = [
                    pltpu.async_copy(table_hbm.at[idx_v.at[r]],
                                     rows_v.at[pl.ds(r * 128, 128)], sem)
                    for r in range(8)
                ]
                for c in copies:
                    c.wait()
                pltpu.sync_copy(rows_v, out_hbm.at[pl.ds(g * _G, _G)])

    return _sc_gather


def kernel(x, codebook):
    input_shape = x.shape
    flat = x.reshape(-1, _EMBEDDING_DIM)
    soft, idx3, loss = _tc_part(flat, codebook)
    table = codebook.T.reshape(_N_COMPONENTS, _EMBEDDING_DIM)
    q = _make_sc_gather()(table, idx3)
    quantized = q.reshape(input_shape)
    vq_loss = (1.0 + _BETA) * loss[0, 0] / flat.size
    return quantized, soft, vq_loss

# --- scband reference (transcript-rebuilt; emitter-appended) ---
"""Pipeline reference for scband-vector-quantizer-pt-21869973471295 (READ-ONLY COPY).

The authoritative reference and input builder live on the scoring server;
editing this copy changes nothing except your own understanding.
"""

import jax, jax.numpy as jnp
import numpy as np

N_COMPONENTS = 1024
EMBEDDING_DIM = 64
BETA = 0.25


def setup_inputs(seed: int = 0) -> dict:
    key = jax.random.key(seed)
    k1, k2 = jax.random.split(key)
    x = jax.random.normal(k1, (64, 576, EMBEDDING_DIM), dtype=jnp.float32)
    # codebook parameter: shape (embedding_dim, n_components), uniform(0, 1) init as in torch module
    codebook = jax.random.uniform(k2, (EMBEDDING_DIM, N_COMPONENTS), dtype=jnp.float32, minval=0.0, maxval=1.0)
    return {"x": x, "codebook": codebook}


def get_code_indices(flattened, codebook, return_soft_counts=False):
    similarity = jnp.matmul(flattened, codebook)
    distances = (jnp.sum(flattened ** 2, axis=1, keepdims=True)
                 + jnp.sum(codebook ** 2, axis=0)
                 - 2.0 * similarity)
    if return_soft_counts:
        sim = (1.0 / distances) ** 2
        soft_counts = sim / jnp.sum(sim, axis=1, keepdims=True)
        return soft_counts
    encoding_indices = jnp.argmin(distances, axis=1)
    return encoding_indices


def reference(x, codebook):
    input_shape = x.shape
    flattened = x.reshape(-1, EMBEDDING_DIM)
    # kmeans_loss = 0.0 -> kmeans branch skipped
    encoding_indices = get_code_indices(flattened, codebook, return_soft_counts=False).astype(jnp.int32)
    soft_counts = get_code_indices(flattened, codebook, return_soft_counts=True)
    encodings = jax.nn.one_hot(encoding_indices, N_COMPONENTS, dtype=jnp.float32)
    quantized = jnp.matmul(encodings, codebook.T)
    quantized = quantized.reshape(input_shape)
    commitment_loss = BETA * jnp.mean((jax.lax.stop_gradient(quantized) - x) ** 2)
    codebook_loss = jnp.mean((quantized - jax.lax.stop_gradient(x)) ** 2)
    vq_loss = commitment_loss + codebook_loss
    return quantized, soft_counts, vq_loss

if __name__ == "__main__":
    import jax
    _d = setup_inputs()
    print(jax.jit(kernel)(*tuple(_d.values())))

</pallas_src>

<mosaic_0001>
#map = affine_map<(d0, d1) -> (0, 0)>
#map1 = affine_map<(d0, d1) -> (0, 0, 0)>
module attributes {stable_mosaic.version = 14 : i64} {
  func.func @_sc_gather(%arg0: i32, %arg1: i32, %arg2: memref<1024x64xf32, #tpu.memory_space<hbm>>, %arg3: memref<36x8x128xi32, #tpu.memory_space<hbm>>, %arg4: memref<36864x64xf32, #tpu.memory_space<hbm>>, %arg5: memref<8x128xi32, #tpu.memory_space<vmem>>, %arg6: memref<1024x64xf32, #tpu.memory_space<vmem>>, %arg7: memref<!tpu.dma_semaphore, #tpu.memory_space<semaphore_mem>>) attributes {dimension_semantics = [#tpu.dimension_semantics<core_parallel>, #tpu.dimension_semantics<subcore_parallel>], iteration_bounds = array<i64: 2, 16>, scalar_prefetch = 0 : i64, scratch_operands = 3 : i64, tpu.core_type = #tpu.core_type<sc_vector_subcore>, window_params = [{transform_indices = #map}, {transform_indices = #map1}, {transform_indices = #map}]} {
    %mul3A = arith.constant 2 : i32
    %mul3A_0 = arith.muli %arg1, %mul3A : i32
    %add3A = arith.addi %mul3A_0, %arg0 : i32
    %add3A_1 = arith.constant 0 : i32
    %add3A_2 = arith.addi %add3A, %add3A_1 : i32
    %lt3A = arith.constant 36 : i32
    %lt3A_3 = arith.cmpi slt, %add3A_2, %lt3A : i32
    %convert_element_type3A = arith.extui %lt3A_3 : i1 to i32
    %cond3A = arith.constant 0 : i32
    %cond3A_4 = arith.cmpi ne, %convert_element_type3A, %cond3A : i32
    scf.if %cond3A_4 {
      "tpu.region"() ({
        %run_scoped3A = tpu.sem_alloc : memref<!tpu.dma_semaphore, #tpu.memory_space<semaphore_mem>>
        %dma_start3A_172 = arith.constant 0 : i32
        %dma_start3A_173 = arith.constant 0 : i32
        %dma_start3A_174 = tpu.memref_slice %arg3[%add3A_2, %dma_start3A_172, %dma_start3A_173] : memref<36x8x128xi32, #tpu.memory_space<hbm>> -> memref<1x8x128xi32, #tpu.memory_space<hbm>>
        %dma_start3A_175 = tpu.memref_squeeze %dma_start3A_174 : memref<1x8x128xi32, #tpu.memory_space<hbm>> -> memref<8x128xi32, #tpu.memory_space<hbm>>
        %dma_start3A_176 = arith.constant 0 : i32
        %dma_start3A_177 = arith.constant 0 : i32
        %dma_start3A_178 = tpu.memref_slice %arg3[%add3A_2, %dma_start3A_176, %dma_start3A_177] : memref<36x8x128xi32, #tpu.memory_space<hbm>> -> memref<1x8x128xi32, #tpu.memory_space<hbm>>
        %dma_start3A_179 = tpu.memref_squeeze %dma_start3A_178 : memref<1x8x128xi32, #tpu.memory_space<hbm>> -> memref<8x128xi32, #tpu.memory_space<hbm>>
        tpu.enqueue_dma source(%dma_start3A_179 : memref<8x128xi32, #tpu.memory_space<hbm>>) target(%arg5 : memref<8x128xi32, #tpu.memory_space<vmem>>) target_semaphore(%run_scoped3A : memref<!tpu.dma_semaphore, #tpu.memory_space<semaphore_mem>>)
        %dma_wait3A_180 = arith.constant 0 : i32
        %dma_wait3A_181 = arith.constant 0 : i32
        %dma_wait3A_182 = tpu.memref_slice %arg3[%add3A_2, %dma_wait3A_180, %dma_wait3A_181] : memref<36x8x128xi32, #tpu.memory_space<hbm>> -> memref<1x8x128xi32, #tpu.memory_space<hbm>>
        %dma_wait3A_183 = tpu.memref_squeeze %dma_wait3A_182 : memref<1x8x128xi32, #tpu.memory_space<hbm>> -> memref<8x128xi32, #tpu.memory_space<hbm>>
        %dma_wait3A_184 = arith.constant 0 : i32
        %dma_wait3A_185 = arith.constant 0 : i32
        %dma_wait3A_186 = tpu.memref_slice %arg3[%add3A_2, %dma_wait3A_184, %dma_wait3A_185] : memref<36x8x128xi32, #tpu.memory_space<hbm>> -> memref<1x8x128xi32, #tpu.memory_space<hbm>>
        %dma_wait3A_187 = tpu.memref_squeeze %dma_wait3A_186 : memref<1x8x128xi32, #tpu.memory_space<hbm>> -> memref<8x128xi32, #tpu.memory_space<hbm>>
        tpu.wait_dma2 semaphore(%run_scoped3A : memref<!tpu.dma_semaphore, #tpu.memory_space<semaphore_mem>>) src(%dma_wait3A_187 : memref<8x128xi32, #tpu.memory_space<hbm>>) dst(%arg5 : memref<8x128xi32, #tpu.memory_space<vmem>>)
        tpu.yield
      }) : () -> ()
      %dma_start3A = arith.constant 0 : i32
      %dma_start3A_12 = arith.constant 0 : i32
      %dma_start3A_13 = arith.constant 0 : i32
      %dma_start3A_14 = tpu.memref_slice %arg6[%dma_start3A_12, %dma_start3A_13] : memref<1024x64xf32, #tpu.memory_space<vmem>> -> memref<128x64xf32, #tpu.memory_space<vmem>>
      %dma_start3A_15 = arith.constant 0 : i32
      %dma_start3A_16 = tpu.memref_slice %arg5[%dma_start3A, %dma_start3A_15] : memref<8x128xi32, #tpu.memory_space<vmem>> -> memref<1x128xi32, #tpu.memory_space<vmem>>
      %dma_start3A_17 = tpu.memref_squeeze %dma_start3A_16 : memref<1x128xi32, #tpu.memory_space<vmem>> -> memref<128xi32, #tpu.memory_space<vmem>>
      %dma_start3A_18 = arith.constant 0 : i32
      %dma_start3A_19 = arith.constant 0 : i32
      %dma_start3A_20 = tpu.memref_slice %arg2[%dma_start3A_18, %dma_start3A_19] : memref<1024x64xf32, #tpu.memory_space<hbm>> -> memref<1024x64xf32, #tpu.memory_space<hbm>>
      tpu.enqueue_indirect_dma source(%dma_start3A_20 : memref<1024x64xf32, #tpu.memory_space<hbm>>) target(%dma_start3A_14 : memref<128x64xf32, #tpu.memory_space<vmem>>) offsets(%dma_start3A_17 : memref<128xi32, #tpu.memory_space<vmem>>) semaphore(%arg7 : memref<!tpu.dma_semaphore, #tpu.memory_space<semaphore_mem>>)
      %dma_start3A_21 = arith.constant 1 : i32
      %dma_start3A_22 = arith.constant 128 : i32
      %dma_start3A_23 = arith.constant 0 : i32
      %dma_start3A_24 = tpu.memref_slice %arg6[%dma_start3A_22, %dma_start3A_23] : memref<1024x64xf32, #tpu.memory_space<vmem>> -> memref<128x64xf32, #tpu.memory_space<vmem>>
      %dma_start3A_25 = arith.constant 0 : i32
      %dma_start3A_26 = tpu.memref_slice %arg5[%dma_start3A_21, %dma_start3A_25] : memref<8x128xi32, #tpu.memory_space<vmem>> -> memref<1x128xi32, #tpu.memory_space<vmem>>
      %dma_start3A_27 = tpu.memref_squeeze %dma_start3A_26 : memref<1x128xi32, #tpu.memory_space<vmem>> -> memref<128xi32, #tpu.memory_space<vmem>>
      %dma_start3A_28 = arith.constant 0 : i32
      %dma_start3A_29 = arith.constant 0 : i32
      %dma_start3A_30 = tpu.memref_slice %arg2[%dma_start3A_28, %dma_start3A_29] : memref<1024x64xf32, #tpu.memory_space<hbm>> -> memref<1024x64xf32, #tpu.memory_space<hbm>>
      tpu.enqueue_indirect_dma source(%dma_start3A_30 : memref<1024x64xf32, #tpu.memory_space<hbm>>) target(%dma_start3A_24 : memref<128x64xf32, #tpu.memory_space<vmem>>) offsets(%dma_start3A_27 : memref<128xi32, #tpu.memory_space<vmem>>) semaphore(%arg7 : memref<!tpu.dma_semaphore, #tpu.memory_space<semaphore_mem>>)
      %dma_start3A_31 = arith.constant 2 : i32
      %dma_start3A_32 = arith.constant 256 : i32
      %dma_start3A_33 = arith.constant 0 : i32
      %dma_start3A_34 = tpu.memref_slice %arg6[%dma_start3A_32, %dma_start3A_33] : memref<1024x64xf32, #tpu.memory_space<vmem>> -> memref<128x64xf32, #tpu.memory_space<vmem>>
      %dma_start3A_35 = arith.constant 0 : i32
      %dma_start3A_36 = tpu.memref_slice %arg5[%dma_start3A_31, %dma_start3A_35] : memref<8x128xi32, #tpu.memory_space<vmem>> -> memref<1x128xi32, #tpu.memory_space<vmem>>
      %dma_start3A_37 = tpu.memref_squeeze %dma_start3A_36 : memref<1x128xi32, #tpu.memory_space<vmem>> -> memref<128xi32, #tpu.memory_space<vmem>>
      %dma_start3A_38 = arith.constant 0 : i32
      %dma_start3A_39 = arith.constant 0 : i32
      %dma_start3A_40 = tpu.memref_slice %arg2[%dma_start3A_38, %dma_start3A_39] : memref<1024x64xf32, #tpu.memory_space<hbm>> -> memref<1024x64xf32, #tpu.memory_space<hbm>>
      tpu.enqueue_indirect_dma source(%dma_start3A_40 : memref<1024x64xf32, #tpu.memory_space<hbm>>) target(%dma_start3A_34 : memref<128x64xf32, #tpu.memory_space<vmem>>) offsets(%dma_start3A_37 : memref<128xi32, #tpu.memory_space<vmem>>) semaphore(%arg7 : memref<!tpu.dma_semaphore, #tpu.memory_space<semaphore_mem>>)
      %dma_start3A_41 = arith.constant 3 : i32
      %dma_start3A_42 = arith.constant 384 : i32
      %dma_start3A_43 = arith.constant 0 : i32
      %dma_start3A_44 = tpu.memref_slice %arg6[%dma_start3A_42, %dma_start3A_43] : memref<1024x64xf32, #tpu.memory_space<vmem>> -> memref<128x64xf32, #tpu.memory_space<vmem>>
      %dma_start3A_45 = arith.constant 0 : i32
      %dma_start3A_46 = tpu.memref_slice %arg5[%dma_start3A_41, %dma_start3A_45] : memref<8x128xi32, #tpu.memory_space<vmem>> -> memref<1x128xi32, #tpu.memory_space<vmem>>
      %dma_start3A_47 = tpu.memref_squeeze %dma_start3A_46 : memref<1x128xi32, #tpu.memory_space<vmem>> -> memref<128xi32, #tpu.memory_space<vmem>>
      %dma_start3A_48 = arith.constant 0 : i32
      %dma_start3A_49 = arith.constant 0 : i32
      %dma_start3A_50 = tpu.memref_slice %arg2[%dma_start3A_48, %dma_start3A_49] : memref<1024x64xf32, #tpu.memory_space<hbm>> -> memref<1024x64xf32, #tpu.memory_space<hbm>>
      tpu.enqueue_indirect_dma source(%dma_start3A_50 : memref<1024x64xf32, #tpu.memory_space<hbm>>) target(%dma_start3A_44 : memref<128x64xf32, #tpu.memory_space<vmem>>) offsets(%dma_start3A_47 : memref<128xi32, #tpu.memory_space<vmem>>) semaphore(%arg7 : memref<!tpu.dma_semaphore, #tpu.memory_space<semaphore_mem>>)
      %dma_start3A_51 = arith.constant 4 : i32
      %dma_start3A_52 = arith.constant 512 : i32
      %dma_start3A_53 = arith.constant 0 : i32
      %dma_start3A_54 = tpu.memref_slice %arg6[%dma_start3A_52, %dma_start3A_53] : memref<1024x64xf32, #tpu.memory_space<vmem>> -> memref<128x64xf32, #tpu.memory_space<vmem>>
      %dma_start3A_55 = arith.constant 0 : i32
      %dma_start3A_56 = tpu.memref_slice %arg5[%dma_start3A_51, %dma_start3A_55] : memref<8x128xi32, #tpu.memory_space<vmem>> -> memref<1x128xi32, #tpu.memory_space<vmem>>
      %dma_start3A_57 = tpu.memref_squeeze %dma_start3A_56 : memref<1x128xi32, #tpu.memory_space<vmem>> -> memref<128xi32, #tpu.memory_space<vmem>>
      %dma_start3A_58 = arith.constant 0 : i32
      %dma_start3A_59 = arith.constant 0 : i32
      %dma_start3A_60 = tpu.memref_slice %arg2[%dma_start3A_58, %dma_start3A_59] : memref<1024x64xf32, #tpu.memory_space<hbm>> -> memref<1024x64xf32, #tpu.memory_space<hbm>>
      tpu.enqueue_indirect_dma source(%dma_start3A_60 : memref<1024x64xf32, #tpu.memory_space<hbm>>) target(%dma_start3A_54 : memref<128x64xf32, #tpu.memory_space<vmem>>) offsets(%dma_start3A_57 : memref<128xi32, #tpu.memory_space<vmem>>) semaphore(%arg7 : memref<!tpu.dma_semaphore, #tpu.memory_space<semaphore_mem>>)
      %dma_start3A_61 = arith.constant 5 : i32
      %dma_start3A_62 = arith.constant 640 : i32
      %dma_start3A_63 = arith.constant 0 : i32
      %dma_start3A_64 = tpu.memref_slice %arg6[%dma_start3A_62, %dma_start3A_63] : memref<1024x64xf32, #tpu.memory_space<vmem>> -> memref<128x64xf32, #tpu.memory_space<vmem>>
      %dma_start3A_65 = arith.constant 0 : i32
      %dma_start3A_66 = tpu.memref_slice %arg5[%dma_start3A_61, %dma_start3A_65] : memref<8x128xi32, #tpu.memory_space<vmem>> -> memref<1x128xi32, #tpu.memory_space<vmem>>
      %dma_start3A_67 = tpu.memref_squeeze %dma_start3A_66 : memref<1x128xi32, #tpu.memory_space<vmem>> -> memref<128xi32, #tpu.memory_space<vmem>>
      %dma_start3A_68 = arith.constant 0 : i32
      %dma_start3A_69 = arith.constant 0 : i32
      %dma_start3A_70 = tpu.memref_slice %arg2[%dma_start3A_68, %dma_start3A_69] : memref<1024x64xf32, #tpu.memory_space<hbm>> -> memref<1024x64xf32, #tpu.memory_space<hbm>>
      tpu.enqueue_indirect_dma source(%dma_start3A_70 : memref<1024x64xf32, #tpu.memory_space<hbm>>) target(%dma_start3A_64 : memref<128x64xf32, #tpu.memory_space<vmem>>) offsets(%dma_start3A_67 : memref<128xi32, #tpu.memory_space<vmem>>) semaphore(%arg7 : memref<!tpu.dma_semaphore, #tpu.memory_space<semaphore_mem>>)
      %dma_start3A_71 = arith.constant 6 : i32
      %dma_start3A_72 = arith.constant 768 : i32
      %dma_start3A_73 = arith.constant 0 : i32
      %dma_start3A_74 = tpu.memref_slice %arg6[%dma_start3A_72, %dma_start3A_73] : memref<1024x64xf32, #tpu.memory_space<vmem>> -> memref<128x64xf32, #tpu.memory_space<vmem>>
      %dma_start3A_75 = arith.constant 0 : i32
      %dma_start3A_76 = tpu.memref_slice %arg5[%dma_start3A_71, %dma_start3A_75] : memref<8x128xi32, #tpu.memory_space<vmem>> -> memref<1x128xi32, #tpu.memory_space<vmem>>
      %dma_start3A_77 = tpu.memref_squeeze %dma_start3A_76 : memref<1x128xi32, #tpu.memory_space<vmem>> -> memref<128xi32, #tpu.memory_space<vmem>>
      %dma_start3A_78 = arith.constant 0 : i32
      %dma_start3A_79 = arith.constant 0 : i32
      %dma_start3A_80 = tpu.memref_slice %arg2[%dma_start3A_78, %dma_start3A_79] : memref<1024x64xf32, #tpu.memory_space<hbm>> -> memref<1024x64xf32, #tpu.memory_space<hbm>>
      tpu.enqueue_indirect_dma source(%dma_start3A_80 : memref<1024x64xf32, #tpu.memory_space<hbm>>) target(%dma_start3A_74 : memref<128x64xf32, #tpu.memory_space<vmem>>) offsets(%dma_start3A_77 : memref<128xi32, #tpu.memory_space<vmem>>) semaphore(%arg7 : memref<!tpu.dma_semaphore, #tpu.memory_space<semaphore_mem>>)
      %dma_start3A_81 = arith.constant 7 : i32
      %dma_start3A_82 = arith.constant 896 : i32
      %dma_start3A_83 = arith.constant 0 : i32
      %dma_start3A_84 = tpu.memref_slice %arg6[%dma_start3A_82, %dma_start3A_83] : memref<1024x64xf32, #tpu.memory_space<vmem>> -> memref<128x64xf32, #tpu.memory_space<vmem>>
      %dma_start3A_85 = arith.constant 0 : i32
      %dma_start3A_86 = tpu.memref_slice %arg5[%dma_start3A_81, %dma_start3A_85] : memref<8x128xi32, #tpu.memory_space<vmem>> -> memref<1x128xi32, #tpu.memory_space<vmem>>
      %dma_start3A_87 = tpu.memref_squeeze %dma_start3A_86 : memref<1x128xi32, #tpu.memory_space<vmem>> -> memref<128xi32, #tpu.memory_space<vmem>>
      %dma_start3A_88 = arith.constant 0 : i32
      %dma_start3A_89 = arith.constant 0 : i32
      %dma_start3A_90 = tpu.memref_slice %arg2[%dma_start3A_88, %dma_start3A_89] : memref<1024x64xf32, #tpu.memory_space<hbm>> -> memref<1024x64xf32, #tpu.memory_space<hbm>>
      tpu.enqueue_indirect_dma source(%dma_start3A_90 : memref<1024x64xf32, #tpu.memory_space<hbm>>) target(%dma_start3A_84 : memref<128x64xf32, #tpu.memory_space<vmem>>) offsets(%dma_start3A_87 : memref<128xi32, #tpu.memory_space<vmem>>) semaphore(%arg7 : memref<!tpu.dma_semaphore, #tpu.memory_space<semaphore_mem>>)
      %dma_wait3A = arith.constant 0 : i32
      %dma_wait3A_91 = arith.constant 0 : i32
      %dma_wait3A_92 = arith.constant 0 : i32
      %dma_wait3A_93 = tpu.memref_slice %arg6[%dma_wait3A_91, %dma_wait3A_92] : memref<1024x64xf32, #tpu.memory_space<vmem>> -> memref<128x64xf32, #tpu.memory_space<vmem>>
      %dma_wait3A_94 = arith.constant 0 : i32
      %dma_wait3A_95 = tpu.memref_slice %arg5[%dma_wait3A, %dma_wait3A_94] : memref<8x128xi32, #tpu.memory_space<vmem>> -> memref<1x128xi32, #tpu.memory_space<vmem>>
      %dma_wait3A_96 = tpu.memref_squeeze %dma_wait3A_95 : memref<1x128xi32, #tpu.memory_space<vmem>> -> memref<128xi32, #tpu.memory_space<vmem>>
      %dma_wait3A_97 = arith.constant 0 : i32
      %dma_wait3A_98 = arith.constant 0 : i32
      %dma_wait3A_99 = tpu.memref_slice %arg2[%dma_wait3A_97, %dma_wait3A_98] : memref<1024x64xf32, #tpu.memory_space<hbm>> -> memref<1024x64xf32, #tpu.memory_space<hbm>>
      tpu.wait_indirect_dma semaphore(%arg7 : memref<!tpu.dma_semaphore, #tpu.memory_space<semaphore_mem>>) src(%dma_wait3A_99 : memref<1024x64xf32, #tpu.memory_space<hbm>>) dst(%dma_wait3A_93 : memref<128x64xf32, #tpu.memory_space<vmem>>)
      %dma_wait3A_100 = arith.constant 1 : i32
      %dma_wait3A_101 = arith.constant 128 : i32
      %dma_wait3A_102 = arith.constant 0 : i32
      %dma_wait3A_103 = tpu.memref_slice %arg6[%dma_wait3A_101, %dma_wait3A_102] : memref<1024x64xf32, #tpu.memory_space<vmem>> -> memref<128x64xf32, #tpu.memory_space<vmem>>
      %dma_wait3A_104 = arith.constant 0 : i32
      %dma_wait3A_105 = tpu.memref_slice %arg5[%dma_wait3A_100, %dma_wait3A_104] : memref<8x128xi32, #tpu.memory_space<vmem>> -> memref<1x128xi32, #tpu.memory_space<vmem>>
      %dma_wait3A_106 = tpu.memref_squeeze %dma_wait3A_105 : memref<1x128xi32, #tpu.memory_space<vmem>> -> memref<128xi32, #tpu.memory_space<vmem>>
      %dma_wait3A_107 = arith.constant 0 : i32
      %dma_wait3A_108 = arith.constant 0 : i32
      %dma_wait3A_109 = tpu.memref_slice %arg2[%dma_wait3A_107, %dma_wait3A_108] : memref<1024x64xf32, #tpu.memory_space<hbm>> -> memref<1024x64xf32, #tpu.memory_space<hbm>>
      tpu.wait_indirect_dma semaphore(%arg7 : memref<!tpu.dma_semaphore, #tpu.memory_space<semaphore_mem>>) src(%dma_wait3A_109 : memref<1024x64xf32, #tpu.memory_space<hbm>>) dst(%dma_wait3A_103 : memref<128x64xf32, #tpu.memory_space<vmem>>)
      %dma_wait3A_110 = arith.constant 2 : i32
      %dma_wait3A_111 = arith.constant 256 : i32
      %dma_wait3A_112 = arith.constant 0 : i32
      %dma_wait3A_113 = tpu.memref_slice %arg6[%dma_wait3A_111, %dma_wait3A_112] : memref<1024x64xf32, #tpu.memory_space<vmem>> -> memref<128x64xf32, #tpu.memory_space<vmem>>
      %dma_wait3A_114 = arith.constant 0 : i32
      %dma_wait3A_115 = tpu.memref_slice %arg5[%dma_wait3A_110, %dma_wait3A_114] : memref<8x128xi32, #tpu.memory_space<vmem>> -> memref<1x128xi32, #tpu.memory_space<vmem>>
      %dma_wait3A_116 = tpu.memref_squeeze %dma_wait3A_115 : memref<1x128xi32, #tpu.memory_space<vmem>> -> memref<128xi32, #tpu.memory_space<vmem>>
      %dma_wait3A_117 = arith.constant 0 : i32
      %dma_wait3A_118 = arith.constant 0 : i32
      %dma_wait3A_119 = tpu.memref_slice %arg2[%dma_wait3A_117, %dma_wait3A_118] : memref<1024x64xf32, #tpu.memory_space<hbm>> -> memref<1024x64xf32, #tpu.memory_space<hbm>>
      tpu.wait_indirect_dma semaphore(%arg7 : memref<!tpu.dma_semaphore, #tpu.memory_space<semaphore_mem>>) src(%dma_wait3A_119 : memref<1024x64xf32, #tpu.memory_space<hbm>>) dst(%dma_wait3A_113 : memref<128x64xf32, #tpu.memory_space<vmem>>)
      %dma_wait3A_120 = arith.constant 3 : i32
      %dma_wait3A_121 = arith.constant 384 : i32
      %dma_wait3A_122 = arith.constant 0 : i32
      %dma_wait3A_123 = tpu.memref_slice %arg6[%dma_wait3A_121, %dma_wait3A_122] : memref<1024x64xf32, #tpu.memory_space<vmem>> -> memref<128x64xf32, #tpu.memory_space<vmem>>
      %dma_wait3A_124 = arith.constant 0 : i32
      %dma_wait3A_125 = tpu.memref_slice %arg5[%dma_wait3A_120, %dma_wait3A_124] : memref<8x128xi32, #tpu.memory_space<vmem>> -> memref<1x128xi32, #tpu.memory_space<vmem>>
      %dma_wait3A_126 = tpu.memref_squeeze %dma_wait3A_125 : memref<1x128xi32, #tpu.memory_space<vmem>> -> memref<128xi32, #tpu.memory_space<vmem>>
      %dma_wait3A_127 = arith.constant 0 : i32
      %dma_wait3A_128 = arith.constant 0 : i32
      %dma_wait3A_129 = tpu.memref_slice %arg2[%dma_wait3A_127, %dma_wait3A_128] : memref<1024x64xf32, #tpu.memory_space<hbm>> -> memref<1024x64xf32, #tpu.memory_space<hbm>>
      tpu.wait_indirect_dma semaphore(%arg7 : memref<!tpu.dma_semaphore, #tpu.memory_space<semaphore_mem>>) src(%dma_wait3A_129 : memref<1024x64xf32, #tpu.memory_space<hbm>>) dst(%dma_wait3A_123 : memref<128x64xf32, #tpu.memory_space<vmem>>)
      %dma_wait3A_130 = arith.constant 4 : i32
      %dma_wait3A_131 = arith.constant 512 : i32
      %dma_wait3A_132 = arith.constant 0 : i32
      %dma_wait3A_133 = tpu.memref_slice %arg6[%dma_wait3A_131, %dma_wait3A_132] : memref<1024x64xf32, #tpu.memory_space<vmem>> -> memref<128x64xf32, #tpu.memory_space<vmem>>
      %dma_wait3A_134 = arith.constant 0 : i32
      %dma_wait3A_135 = tpu.memref_slice %arg5[%dma_wait3A_130, %dma_wait3A_134] : memref<8x128xi32, #tpu.memory_space<vmem>> -> memref<1x128xi32, #tpu.memory_space<vmem>>
      %dma_wait3A_136 = tpu.memref_squeeze %dma_wait3A_135 : memref<1x128xi32, #tpu.memory_space<vmem>> -> memref<128xi32, #tpu.memory_space<vmem>>
      %dma_wait3A_137 = arith.constant 0 : i32
      %dma_wait3A_138 = arith.constant 0 : i32
      %dma_wait3A_139 = tpu.memref_slice %arg2[%dma_wait3A_137, %dma_wait3A_138] : memref<1024x64xf32, #tpu.memory_space<hbm>> -> memref<1024x64xf32, #tpu.memory_space<hbm>>
      tpu.wait_indirect_dma semaphore(%arg7 : memref<!tpu.dma_semaphore, #tpu.memory_space<semaphore_mem>>) src(%dma_wait3A_139 : memref<1024x64xf32, #tpu.memory_space<hbm>>) dst(%dma_wait3A_133 : memref<128x64xf32, #tpu.memory_space<vmem>>)
      %dma_wait3A_140 = arith.constant 5 : i32
      %dma_wait3A_141 = arith.constant 640 : i32
      %dma_wait3A_142 = arith.constant 0 : i32
      %dma_wait3A_143 = tpu.memref_slice %arg6[%dma_wait3A_141, %dma_wait3A_142] : memref<1024x64xf32, #tpu.memory_space<vmem>> -> memref<128x64xf32, #tpu.memory_space<vmem>>
      %dma_wait3A_144 = arith.constant 0 : i32
      %dma_wait3A_145 = tpu.memref_slice %arg5[%dma_wait3A_140, %dma_wait3A_144] : memref<8x128xi32, #tpu.memory_space<vmem>> -> memref<1x128xi32, #tpu.memory_space<vmem>>
      %dma_wait3A_146 = tpu.memref_squeeze %dma_wait3A_145 : memref<1x128xi32, #tpu.memory_space<vmem>> -> memref<128xi32, #tpu.memory_space<vmem>>
      %dma_wait3A_147 = arith.constant 0 : i32
      %dma_wait3A_148 = arith.constant 0 : i32
      %dma_wait3A_149 = tpu.memref_slice %arg2[%dma_wait3A_147, %dma_wait3A_148] : memref<1024x64xf32, #tpu.memory_space<hbm>> -> memref<1024x64xf32, #tpu.memory_space<hbm>>
      tpu.wait_indirect_dma semaphore(%arg7 : memref<!tpu.dma_semaphore, #tpu.memory_space<semaphore_mem>>) src(%dma_wait3A_149 : memref<1024x64xf32, #tpu.memory_space<hbm>>) dst(%dma_wait3A_143 : memref<128x64xf32, #tpu.memory_space<vmem>>)
      %dma_wait3A_150 = arith.constant 6 : i32
      %dma_wait3A_151 = arith.constant 768 : i32
      %dma_wait3A_152 = arith.constant 0 : i32
      %dma_wait3A_153 = tpu.memref_slice %arg6[%dma_wait3A_151, %dma_wait3A_152] : memref<1024x64xf32, #tpu.memory_space<vmem>> -> memref<128x64xf32, #tpu.memory_space<vmem>>
      %dma_wait3A_154 = arith.constant 0 : i32
      %dma_wait3A_155 = tpu.memref_slice %arg5[%dma_wait3A_150, %dma_wait3A_154] : memref<8x128xi32, #tpu.memory_space<vmem>> -> memref<1x128xi32, #tpu.memory_space<vmem>>
      %dma_wait3A_156 = tpu.memref_squeeze %dma_wait3A_155 : memref<1x128xi32, #tpu.memory_space<vmem>> -> memref<128xi32, #tpu.memory_space<vmem>>
      %dma_wait3A_157 = arith.constant 0 : i32
      %dma_wait3A_158 = arith.constant 0 : i32
      %dma_wait3A_159 = tpu.memref_slice %arg2[%dma_wait3A_157, %dma_wait3A_158] : memref<1024x64xf32, #tpu.memory_space<hbm>> -> memref<1024x64xf32, #tpu.memory_space<hbm>>
      tpu.wait_indirect_dma semaphore(%arg7 : memref<!tpu.dma_semaphore, #tpu.memory_space<semaphore_mem>>) src(%dma_wait3A_159 : memref<1024x64xf32, #tpu.memory_space<hbm>>) dst(%dma_wait3A_153 : memref<128x64xf32, #tpu.memory_space<vmem>>)
      %dma_wait3A_160 = arith.constant 7 : i32
      %dma_wait3A_161 = arith.constant 896 : i32
      %dma_wait3A_162 = arith.constant 0 : i32
      %dma_wait3A_163 = tpu.memref_slice %arg6[%dma_wait3A_161, %dma_wait3A_162] : memref<1024x64xf32, #tpu.memory_space<vmem>> -> memref<128x64xf32, #tpu.memory_space<vmem>>
      %dma_wait3A_164 = arith.constant 0 : i32
      %dma_wait3A_165 = tpu.memref_slice %arg5[%dma_wait3A_160, %dma_wait3A_164] : memref<8x128xi32, #tpu.memory_space<vmem>> -> memref<1x128xi32, #tpu.memory_space<vmem>>
      %dma_wait3A_166 = tpu.memref_squeeze %dma_wait3A_165 : memref<1x128xi32, #tpu.memory_space<vmem>> -> memref<128xi32, #tpu.memory_space<vmem>>
      %dma_wait3A_167 = arith.constant 0 : i32
      %dma_wait3A_168 = arith.constant 0 : i32
      %dma_wait3A_169 = tpu.memref_slice %arg2[%dma_wait3A_167, %dma_wait3A_168] : memref<1024x64xf32, #tpu.memory_space<hbm>> -> memref<1024x64xf32, #tpu.memory_space<hbm>>
      tpu.wait_indirect_dma semaphore(%arg7 : memref<!tpu.dma_semaphore, #tpu.memory_space<semaphore_mem>>) src(%dma_wait3A_169 : memref<1024x64xf32, #tpu.memory_space<hbm>>) dst(%dma_wait3A_163 : memref<128x64xf32, #tpu.memory_space<vmem>>)
      %mul3A_170 = arith.constant 1024 : i32
      %mul3A_171 = arith.muli %add3A_2, %mul3A_170 : i32
      "tpu.region"() ({
        %run_scoped3A = tpu.sem_alloc : memref<!tpu.dma_semaphore, #tpu.memory_space<semaphore_mem>>
        %dma_start3A_172 = arith.constant 0 : i32
        %dma_start3A_173 = tpu.memref_slice %arg4[%mul3A_171, %dma_start3A_172] : memref<36864x64xf32, #tpu.memory_space<hbm>> -> memref<1024x64xf32, #tpu.memory_space<hbm>>
        %dma_start3A_174 = arith.constant 0 : i32
        %dma_start3A_175 = tpu.memref_slice %arg4[%mul3A_171, %dma_start3A_174] : memref<36864x64xf32, #tpu.memory_space<hbm>> -> memref<1024x64xf32, #tpu.memory_space<hbm>>
        tpu.enqueue_dma source(%arg6 : memref<1024x64xf32, #tpu.memory_space<vmem>>) target(%dma_start3A_175 : memref<1024x64xf32, #tpu.memory_space<hbm>>) target_semaphore(%run_scoped3A : memref<!tpu.dma_semaphore, #tpu.memory_space<semaphore_mem>>)
        %dma_wait3A_176 = arith.constant 0 : i32
        %dma_wait3A_177 = tpu.memref_slice %arg4[%mul3A_171, %dma_wait3A_176] : memref<36864x64xf32, #tpu.memory_space<hbm>> -> memref<1024x64xf32, #tpu.memory_space<hbm>>
        %dma_wait3A_178 = arith.constant 0 : i32
        %dma_wait3A_179 = tpu.memref_slice %arg4[%mul3A_171, %dma_wait3A_178] : memref<36864x64xf32, #tpu.memory_space<hbm>> -> memref<1024x64xf32, #tpu.memory_space<hbm>>
        tpu.wait_dma2 semaphore(%run_scoped3A : memref<!tpu.dma_semaphore, #tpu.memory_space<semaphore_mem>>) src(%arg6 : memref<1024x64xf32, #tpu.memory_space<vmem>>) dst(%dma_wait3A_179 : memref<1024x64xf32, #tpu.memory_space<hbm>>)
        tpu.yield
      }) : () -> ()
    } else {
    }
    %add3A_5 = arith.constant 32 : i32
    %add3A_6 = arith.addi %add3A, %add3A_5 : i32
    %lt3A_7 = arith.constant 36 : i32
    %lt3A_8 = arith.cmpi slt, %add3A_6, %lt3A_7 : i32
    %convert_element_type3A_9 = arith.extui %lt3A_8 : i1 to i32
    %cond3A_10 = arith.constant 0 : i32
    %cond3A_11 = arith.cmpi ne, %convert_element_type3A_9, %cond3A_10 : i32
    scf.if %cond3A_11 {
      "tpu.region"() ({
        %run_scoped3A = tpu.sem_alloc : memref<!tpu.dma_semaphore, #tpu.memory_space<semaphore_mem>>
        %dma_start3A_172 = arith.constant 0 : i32
        %dma_start3A_173 = arith.constant 0 : i32
        %dma_start3A_174 = tpu.memref_slice %arg3[%add3A_6, %dma_start3A_172, %dma_start3A_173] : memref<36x8x128xi32, #tpu.memory_space<hbm>> -> memref<1x8x128xi32, #tpu.memory_space<hbm>>
        %dma_start3A_175 = tpu.memref_squeeze %dma_start3A_174 : memref<1x8x128xi32, #tpu.memory_space<hbm>> -> memref<8x128xi32, #tpu.memory_space<hbm>>
        %dma_start3A_176 = arith.constant 0 : i32
        %dma_start3A_177 = arith.constant 0 : i32
        %dma_start3A_178 = tpu.memref_slice %arg3[%add3A_6, %dma_start3A_176, %dma_start3A_177] : memref<36x8x128xi32, #tpu.memory_space<hbm>> -> memref<1x8x128xi32, #tpu.memory_space<hbm>>
        %dma_start3A_179 = tpu.memref_squeeze %dma_start3A_178 : memref<1x8x128xi32, #tpu.memory_space<hbm>> -> memref<8x128xi32, #tpu.memory_space<hbm>>
        tpu.enqueue_dma source(%dma_start3A_179 : memref<8x128xi32, #tpu.memory_space<hbm>>) target(%arg5 : memref<8x128xi32, #tpu.memory_space<vmem>>) target_semaphore(%run_scoped3A : memref<!tpu.dma_semaphore, #tpu.memory_space<semaphore_mem>>)
        %dma_wait3A_180 = arith.constant 0 : i32
        %dma_wait3A_181 = arith.constant 0 : i32
        %dma_wait3A_182 = tpu.memref_slice %arg3[%add3A_6, %dma_wait3A_180, %dma_wait3A_181] : memref<36x8x128xi32, #tpu.memory_space<hbm>> -> memref<1x8x128xi32, #tpu.memory_space<hbm>>
        %dma_wait3A_183 = tpu.memref_squeeze %dma_wait3A_182 : memref<1x8x128xi32, #tpu.memory_space<hbm>> -> memref<8x128xi32, #tpu.memory_space<hbm>>
        %dma_wait3A_184 = arith.constant 0 : i32
        %dma_wait3A_185 = arith.constant 0 : i32
        %dma_wait3A_186 = tpu.memref_slice %arg3[%add3A_6, %dma_wait3A_184, %dma_wait3A_185] : memref<36x8x128xi32, #tpu.memory_space<hbm>> -> memref<1x8x128xi32, #tpu.memory_space<hbm>>
        %dma_wait3A_187 = tpu.memref_squeeze %dma_wait3A_186 : memref<1x8x128xi32, #tpu.memory_space<hbm>> -> memref<8x128xi32, #tpu.memory_space<hbm>>
        tpu.wait_dma2 semaphore(%run_scoped3A : memref<!tpu.dma_semaphore, #tpu.memory_space<semaphore_mem>>) src(%dma_wait3A_187 : memref<8x128xi32, #tpu.memory_space<hbm>>) dst(%arg5 : memref<8x128xi32, #tpu.memory_space<vmem>>)
        tpu.yield
      }) : () -> ()
      %dma_start3A = arith.constant 0 : i32
      %dma_start3A_12 = arith.constant 0 : i32
      %dma_start3A_13 = arith.constant 0 : i32
      %dma_start3A_14 = tpu.memref_slice %arg6[%dma_start3A_12, %dma_start3A_13] : memref<1024x64xf32, #tpu.memory_space<vmem>> -> memref<128x64xf32, #tpu.memory_space<vmem>>
      %dma_start3A_15 = arith.constant 0 : i32
      %dma_start3A_16 = tpu.memref_slice %arg5[%dma_start3A, %dma_start3A_15] : memref<8x128xi32, #tpu.memory_space<vmem>> -> memref<1x128xi32, #tpu.memory_space<vmem>>
      %dma_start3A_17 = tpu.memref_squeeze %dma_start3A_16 : memref<1x128xi32, #tpu.memory_space<vmem>> -> memref<128xi32, #tpu.memory_space<vmem>>
      %dma_start3A_18 = arith.constant 0 : i32
      %dma_start3A_19 = arith.constant 0 : i32
      %dma_start3A_20 = tpu.memref_slice %arg2[%dma_start3A_18, %dma_start3A_19] : memref<1024x64xf32, #tpu.memory_space<hbm>> -> memref<1024x64xf32, #tpu.memory_space<hbm>>
      tpu.enqueue_indirect_dma source(%dma_start3A_20 : memref<1024x64xf32, #tpu.memory_space<hbm>>) target(%dma_start3A_14 : memref<128x64xf32, #tpu.memory_space<vmem>>) offsets(%dma_start3A_17 : memref<128xi32, #tpu.memory_space<vmem>>) semaphore(%arg7 : memref<!tpu.dma_semaphore, #tpu.memory_space<semaphore_mem>>)
      %dma_start3A_21 = arith.constant 1 : i32
      %dma_start3A_22 = arith.constant 128 : i32
      %dma_start3A_23 = arith.constant 0 : i32
      %dma_start3A_24 = tpu.memref_slice %arg6[%dma_start3A_22, %dma_start3A_23] : memref<1024x64xf32, #tpu.memory_space<vmem>> -> memref<128x64xf32, #tpu.memory_space<vmem>>
      %dma_start3A_25 = arith.constant 0 : i32
      %dma_start3A_26 = tpu.memref_slice %arg5[%dma_start3A_21, %dma_start3A_25] : memref<8x128xi32, #tpu.memory_space<vmem>> -> memref<1x128xi32, #tpu.memory_space<vmem>>
      %dma_start3A_27 = tpu.memref_squeeze %dma_start3A_26 : memref<1x128xi32, #tpu.memory_space<vmem>> -> memref<128xi32, #tpu.memory_space<vmem>>
      %dma_start3A_28 = arith.constant 0 : i32
      %dma_start3A_29 = arith.constant 0 : i32
      %dma_start3A_30 = tpu.memref_slice %arg2[%dma_start3A_28, %dma_start3A_29] : memref<1024x64xf32, #tpu.memory_space<hbm>> -> memref<1024x64xf32, #tpu.memory_space<hbm>>
      tpu.enqueue_indirect_dma source(%dma_start3A_30 : memref<1024x64xf32, #tpu.memory_space<hbm>>) target(%dma_start3A_24 : memref<128x64xf32, #tpu.memory_space<vmem>>) offsets(%dma_start3A_27 : memref<128xi32, #tpu.memory_space<vmem>>) semaphore(%arg7 : memref<!tpu.dma_semaphore, #tpu.memory_space<semaphore_mem>>)
      %dma_start3A_31 = arith.constant 2 : i32
      %dma_start3A_32 = arith.constant 256 : i32
      %dma_start3A_33 = arith.constant 0 : i32
      %dma_start3A_34 = tpu.memref_slice %arg6[%dma_start3A_32, %dma_start3A_33] : memref<1024x64xf32, #tpu.memory_space<vmem>> -> memref<128x64xf32, #tpu.memory_space<vmem>>
      %dma_start3A_35 = arith.constant 0 : i32
      %dma_start3A_36 = tpu.memref_slice %arg5[%dma_start3A_31, %dma_start3A_35] : memref<8x128xi32, #tpu.memory_space<vmem>> -> memref<1x128xi32, #tpu.memory_space<vmem>>
      %dma_start3A_37 = tpu.memref_squeeze %dma_start3A_36 : memref<1x128xi32, #tpu.memory_space<vmem>> -> memref<128xi32, #tpu.memory_space<vmem>>
      %dma_start3A_38 = arith.constant 0 : i32
      %dma_start3A_39 = arith.constant 0 : i32
      %dma_start3A_40 = tpu.memref_slice %arg2[%dma_start3A_38, %dma_start3A_39] : memref<1024x64xf32, #tpu.memory_space<hbm>> -> memref<1024x64xf32, #tpu.memory_space<hbm>>
      tpu.enqueue_indirect_dma source(%dma_start3A_40 : memref<1024x64xf32, #tpu.memory_space<hbm>>) target(%dma_start3A_34 : memref<128x64xf32, #tpu.memory_space<vmem>>) offsets(%dma_start3A_37 : memref<128xi32, #tpu.memory_space<vmem>>) semaphore(%arg7 : memref<!tpu.dma_semaphore, #tpu.memory_space<semaphore_mem>>)
      %dma_start3A_41 = arith.constant 3 : i32
      %dma_start3A_42 = arith.constant 384 : i32
      %dma_start3A_43 = arith.constant 0 : i32
      %dma_start3A_44 = tpu.memref_slice %arg6[%dma_start3A_42, %dma_start3A_43] : memref<1024x64xf32, #tpu.memory_space<vmem>> -> memref<128x64xf32, #tpu.memory_space<vmem>>
      %dma_start3A_45 = arith.constant 0 : i32
      %dma_start3A_46 = tpu.memref_slice %arg5[%dma_start3A_41, %dma_start3A_45] : memref<8x128xi32, #tpu.memory_space<vmem>> -> memref<1x128xi32, #tpu.memory_space<vmem>>
      %dma_start3A_47 = tpu.memref_squeeze %dma_start3A_46 : memref<1x128xi32, #tpu.memory_space<vmem>> -> memref<128xi32, #tpu.memory_space<vmem>>
      %dma_start3A_48 = arith.constant 0 : i32
      %dma_start3A_49 = arith.constant 0 : i32
      %dma_start3A_50 = tpu.memref_slice %arg2[%dma_start3A_48, %dma_start3A_49] : memref<1024x64xf32, #tpu.memory_space<hbm>> -> memref<1024x64xf32, #tpu.memory_space<hbm>>
      tpu.enqueue_indirect_dma source(%dma_start3A_50 : memref<1024x64xf32, #tpu.memory_space<hbm>>) target(%dma_start3A_44 : memref<128x64xf32, #tpu.memory_space<vmem>>) offsets(%dma_start3A_47 : memref<128xi32, #tpu.memory_space<vmem>>) semaphore(%arg7 : memref<!tpu.dma_semaphore, #tpu.memory_space<semaphore_mem>>)
      %dma_start3A_51 = arith.constant 4 : i32
      %dma_start3A_52 = arith.constant 512 : i32
      %dma_start3A_53 = arith.constant 0 : i32
      %dma_start3A_54 = tpu.memref_slice %arg6[%dma_start3A_52, %dma_start3A_53] : memref<1024x64xf32, #tpu.memory_space<vmem>> -> memref<128x64xf32, #tpu.memory_space<vmem>>
      %dma_start3A_55 = arith.constant 0 : i32
      %dma_start3A_56 = tpu.memref_slice %arg5[%dma_start3A_51, %dma_start3A_55] : memref<8x128xi32, #tpu.memory_space<vmem>> -> memref<1x128xi32, #tpu.memory_space<vmem>>
      %dma_start3A_57 = tpu.memref_squeeze %dma_start3A_56 : memref<1x128xi32, #tpu.memory_space<vmem>> -> memref<128xi32, #tpu.memory_space<vmem>>
      %dma_start3A_58 = arith.constant 0 : i32
      %dma_start3A_59 = arith.constant 0 : i32
      %dma_start3A_60 = tpu.memref_slice %arg2[%dma_start3A_58, %dma_start3A_59] : memref<1024x64xf32, #tpu.memory_space<hbm>> -> memref<1024x64xf32, #tpu.memory_space<hbm>>
      tpu.enqueue_indirect_dma source(%dma_start3A_60 : memref<1024x64xf32, #tpu.memory_space<hbm>>) target(%dma_start3A_54 : memref<128x64xf32, #tpu.memory_space<vmem>>) offsets(%dma_start3A_57 : memref<128xi32, #tpu.memory_space<vmem>>) semaphore(%arg7 : memref<!tpu.dma_semaphore, #tpu.memory_space<semaphore_mem>>)
      %dma_start3A_61 = arith.constant 5 : i32
      %dma_start3A_62 = arith.constant 640 : i32
      %dma_start3A_63 = arith.constant 0 : i32
      %dma_start3A_64 = tpu.memref_slice %arg6[%dma_start3A_62, %dma_start3A_63] : memref<1024x64xf32, #tpu.memory_space<vmem>> -> memref<128x64xf32, #tpu.memory_space<vmem>>
      %dma_start3A_65 = arith.constant 0 : i32
      %dma_start3A_66 = tpu.memref_slice %arg5[%dma_start3A_61, %dma_start3A_65] : memref<8x128xi32, #tpu.memory_space<vmem>> -> memref<1x128xi32, #tpu.memory_space<vmem>>
      %dma_start3A_67 = tpu.memref_squeeze %dma_start3A_66 : memref<1x128xi32, #tpu.memory_space<vmem>> -> memref<128xi32, #tpu.memory_space<vmem>>
      %dma_start3A_68 = arith.constant 0 : i32
      %dma_start3A_69 = arith.constant 0 : i32
      %dma_start3A_70 = tpu.memref_slice %arg2[%dma_start3A_68, %dma_start3A_69] : memref<1024x64xf32, #tpu.memory_space<hbm>> -> memref<1024x64xf32, #tpu.memory_space<hbm>>
      tpu.enqueue_indirect_dma source(%dma_start3A_70 : memref<1024x64xf32, #tpu.memory_space<hbm>>) target(%dma_start3A_64 : memref<128x64xf32, #tpu.memory_space<vmem>>) offsets(%dma_start3A_67 : memref<128xi32, #tpu.memory_space<vmem>>) semaphore(%arg7 : memref<!tpu.dma_semaphore, #tpu.memory_space<semaphore_mem>>)
      %dma_start3A_71 = arith.constant 6 : i32
      %dma_start3A_72 = arith.constant 768 : i32
      %dma_start3A_73 = arith.constant 0 : i32
      %dma_start3A_74 = tpu.memref_slice %arg6[%dma_start3A_72, %dma_start3A_73] : memref<1024x64xf32, #tpu.memory_space<vmem>> -> memref<128x64xf32, #tpu.memory_space<vmem>>
      %dma_start3A_75 = arith.constant 0 : i32
      %dma_start3A_76 = tpu.memref_slice %arg5[%dma_start3A_71, %dma_start3A_75] : memref<8x128xi32, #tpu.memory_space<vmem>> -> memref<1x128xi32, #tpu.memory_space<vmem>>
      %dma_start3A_77 = tpu.memref_squeeze %dma_start3A_76 : memref<1x128xi32, #tpu.memory_space<vmem>> -> memref<128xi32, #tpu.memory_space<vmem>>
      %dma_start3A_78 = arith.constant 0 : i32
      %dma_start3A_79 = arith.constant 0 : i32
      %dma_start3A_80 = tpu.memref_slice %arg2[%dma_start3A_78, %dma_start3A_79] : memref<1024x64xf32, #tpu.memory_space<hbm>> -> memref<1024x64xf32, #tpu.memory_space<hbm>>
      tpu.enqueue_indirect_dma source(%dma_start3A_80 : memref<1024x64xf32, #tpu.memory_space<hbm>>) target(%dma_start3A_74 : memref<128x64xf32, #tpu.memory_space<vmem>>) offsets(%dma_start3A_77 : memref<128xi32, #tpu.memory_space<vmem>>) semaphore(%arg7 : memref<!tpu.dma_semaphore, #tpu.memory_space<semaphore_mem>>)
      %dma_start3A_81 = arith.constant 7 : i32
      %dma_start3A_82 = arith.constant 896 : i32
      %dma_start3A_83 = arith.constant 0 : i32
      %dma_start3A_84 = tpu.memref_slice %arg6[%dma_start3A_82, %dma_start3A_83] : memref<1024x64xf32, #tpu.memory_space<vmem>> -> memref<128x64xf32, #tpu.memory_space<vmem>>
      %dma_start3A_85 = arith.constant 0 : i32
      %dma_start3A_86 = tpu.memref_slice %arg5[%dma_start3A_81, %dma_start3A_85] : memref<8x128xi32, #tpu.memory_space<vmem>> -> memref<1x128xi32, #tpu.memory_space<vmem>>
      %dma_start3A_87 = tpu.memref_squeeze %dma_start3A_86 : memref<1x128xi32, #tpu.memory_space<vmem>> -> memref<128xi32, #tpu.memory_space<vmem>>
      %dma_start3A_88 = arith.constant 0 : i32
      %dma_start3A_89 = arith.constant 0 : i32
      %dma_start3A_90 = tpu.memref_slice %arg2[%dma_start3A_88, %dma_start3A_89] : memref<1024x64xf32, #tpu.memory_space<hbm>> -> memref<1024x64xf32, #tpu.memory_space<hbm>>
      tpu.enqueue_indirect_dma source(%dma_start3A_90 : memref<1024x64xf32, #tpu.memory_space<hbm>>) target(%dma_start3A_84 : memref<128x64xf32, #tpu.memory_space<vmem>>) offsets(%dma_start3A_87 : memref<128xi32, #tpu.memory_space<vmem>>) semaphore(%arg7 : memref<!tpu.dma_semaphore, #tpu.memory_space<semaphore_mem>>)
      %dma_wait3A = arith.constant 0 : i32
      %dma_wait3A_91 = arith.constant 0 : i32
      %dma_wait3A_92 = arith.constant 0 : i32
      %dma_wait3A_93 = tpu.memref_slice %arg6[%dma_wait3A_91, %dma_wait3A_92] : memref<1024x64xf32, #tpu.memory_space<vmem>> -> memref<128x64xf32, #tpu.memory_space<vmem>>
      %dma_wait3A_94 = arith.constant 0 : i32
      %dma_wait3A_95 = tpu.memref_slice %arg5[%dma_wait3A, %dma_wait3A_94] : memref<8x128xi32, #tpu.memory_space<vmem>> -> memref<1x128xi32, #tpu.memory_space<vmem>>
      %dma_wait3A_96 = tpu.memref_squeeze %dma_wait3A_95 : memref<1x128xi32, #tpu.memory_space<vmem>> -> memref<128xi32, #tpu.memory_space<vmem>>
      %dma_wait3A_97 = arith.constant 0 : i32
      %dma_wait3A_98 = arith.constant 0 : i32
      %dma_wait3A_99 = tpu.memref_slice %arg2[%dma_wait3A_97, %dma_wait3A_98] : memref<1024x64xf32, #tpu.memory_space<hbm>> -> memref<1024x64xf32, #tpu.memory_space<hbm>>
      tpu.wait_indirect_dma semaphore(%arg7 : memref<!tpu.dma_semaphore, #tpu.memory_space<semaphore_mem>>) src(%dma_wait3A_99 : memref<1024x64xf32, #tpu.memory_space<hbm>>) dst(%dma_wait3A_93 : memref<128x64xf32, #tpu.memory_space<vmem>>)
      %dma_wait3A_100 = arith.constant 1 : i32
      %dma_wait3A_101 = arith.constant 128 : i32
      %dma_wait3A_102 = arith.constant 0 : i32
      %dma_wait3A_103 = tpu.memref_slice %arg6[%dma_wait3A_101, %dma_wait3A_102] : memref<1024x64xf32, #tpu.memory_space<vmem>> -> memref<128x64xf32, #tpu.memory_space<vmem>>
      %dma_wait3A_104 = arith.constant 0 : i32
      %dma_wait3A_105 = tpu.memref_slice %arg5[%dma_wait3A_100, %dma_wait3A_104] : memref<8x128xi32, #tpu.memory_space<vmem>> -> memref<1x128xi32, #tpu.memory_space<vmem>>
      %dma_wait3A_106 = tpu.memref_squeeze %dma_wait3A_105 : memref<1x128xi32, #tpu.memory_space<vmem>> -> memref<128xi32, #tpu.memory_space<vmem>>
      %dma_wait3A_107 = arith.constant 0 : i32
      %dma_wait3A_108 = arith.constant 0 : i32
      %dma_wait3A_109 = tpu.memref_slice %arg2[%dma_wait3A_107, %dma_wait3A_108] : memref<1024x64xf32, #tpu.memory_space<hbm>> -> memref<1024x64xf32, #tpu.memory_space<hbm>>
      tpu.wait_indirect_dma semaphore(%arg7 : memref<!tpu.dma_semaphore, #tpu.memory_space<semaphore_mem>>) src(%dma_wait3A_109 : memref<1024x64xf32, #tpu.memory_space<hbm>>) dst(%dma_wait3A_103 : memref<128x64xf32, #tpu.memory_space<vmem>>)
      %dma_wait3A_110 = arith.constant 2 : i32
      %dma_wait3A_111 = arith.constant 256 : i32
      %dma_wait3A_112 = arith.constant 0 : i32
      %dma_wait3A_113 = tpu.memref_slice %arg6[%dma_wait3A_111, %dma_wait3A_112] : memref<1024x64xf32, #tpu.memory_space<vmem>> -> memref<128x64xf32, #tpu.memory_space<vmem>>
      %dma_wait3A_114 = arith.constant 0 : i32
      %dma_wait3A_115 = tpu.memref_slice %arg5[%dma_wait3A_110, %dma_wait3A_114] : memref<8x128xi32, #tpu.memory_space<vmem>> -> memref<1x128xi32, #tpu.memory_space<vmem>>
      %dma_wait3A_116 = tpu.memref_squeeze %dma_wait3A_115 : memref<1x128xi32, #tpu.memory_space<vmem>> -> memref<128xi32, #tpu.memory_space<vmem>>
      %dma_wait3A_117 = arith.constant 0 : i32
      %dma_wait3A_118 = arith.constant 0 : i32
      %dma_wait3A_119 = tpu.memref_slice %arg2[%dma_wait3A_117, %dma_wait3A_118] : memref<1024x64xf32, #tpu.memory_space<hbm>> -> memref<1024x64xf32, #tpu.memory_space<hbm>>
      tpu.wait_indirect_dma semaphore(%arg7 : memref<!tpu.dma_semaphore, #tpu.memory_space<semaphore_mem>>) src(%dma_wait3A_119 : memref<1024x64xf32, #tpu.memory_space<hbm>>) dst(%dma_wait3A_113 : memref<128x64xf32, #tpu.memory_space<vmem>>)
      %dma_wait3A_120 = arith.constant 3 : i32
      %dma_wait3A_121 = arith.constant 384 : i32
      %dma_wait3A_122 = arith.constant 0 : i32
      %dma_wait3A_123 = tpu.memref_slice %arg6[%dma_wait3A_121, %dma_wait3A_122] : memref<1024x64xf32, #tpu.memory_space<vmem>> -> memref<128x64xf32, #tpu.memory_space<vmem>>
      %dma_wait3A_124 = arith.constant 0 : i32
      %dma_wait3A_125 = tpu.memref_slice %arg5[%dma_wait3A_120, %dma_wait3A_124] : memref<8x128xi32, #tpu.memory_space<vmem>> -> memref<1x128xi32, #tpu.memory_space<vmem>>
      %dma_wait3A_126 = tpu.memref_squeeze %dma_wait3A_125 : memref<1x128xi32, #tpu.memory_space<vmem>> -> memref<128xi32, #tpu.memory_space<vmem>>
      %dma_wait3A_127 = arith.constant 0 : i32
      %dma_wait3A_128 = arith.constant 0 : i32
      %dma_wait3A_129 = tpu.memref_slice %arg2[%dma_wait3A_127, %dma_wait3A_128] : memref<1024x64xf32, #tpu.memory_space<hbm>> -> memref<1024x64xf32, #tpu.memory_space<hbm>>
      tpu.wait_indirect_dma semaphore(%arg7 : memref<!tpu.dma_semaphore, #tpu.memory_space<semaphore_mem>>) src(%dma_wait3A_129 : memref<1024x64xf32, #tpu.memory_space<hbm>>) dst(%dma_wait3A_123 : memref<128x64xf32, #tpu.memory_space<vmem>>)
      %dma_wait3A_130 = arith.constant 4 : i32
      %dma_wait3A_131 = arith.constant 512 : i32
      %dma_wait3A_132 = arith.constant 0 : i32
      %dma_wait3A_133 = tpu.memref_slice %arg6[%dma_wait3A_131, %dma_wait3A_132] : memref<1024x64xf32, #tpu.memory_space<vmem>> -> memref<128x64xf32, #tpu.memory_space<vmem>>
      %dma_wait3A_134 = arith.constant 0 : i32
      %dma_wait3A_135 = tpu.memref_slice %arg5[%dma_wait3A_130, %dma_wait3A_134] : memref<8x128xi32, #tpu.memory_space<vmem>> -> memref<1x128xi32, #tpu.memory_space<vmem>>
      %dma_wait3A_136 = tpu.memref_squeeze %dma_wait3A_135 : memref<1x128xi32, #tpu.memory_space<vmem>> -> memref<128xi32, #tpu.memory_space<vmem>>
      %dma_wait3A_137 = arith.constant 0 : i32
      %dma_wait3A_138 = arith.constant 0 : i32
      %dma_wait3A_139 = tpu.memref_slice %arg2[%dma_wait3A_137, %dma_wait3A_138] : memref<1024x64xf32, #tpu.memory_space<hbm>> -> memref<1024x64xf32, #tpu.memory_space<hbm>>
      tpu.wait_indirect_dma semaphore(%arg7 : memref<!tpu.dma_semaphore, #tpu.memory_space<semaphore_mem>>) src(%dma_wait3A_139 : memref<1024x64xf32, #tpu.memory_space<hbm>>) dst(%dma_wait3A_133 : memref<128x64xf32, #tpu.memory_space<vmem>>)
      %dma_wait3A_140 = arith.constant 5 : i32
      %dma_wait3A_141 = arith.constant 640 : i32
      %dma_wait3A_142 = arith.constant 0 : i32
      %dma_wait3A_143 = tpu.memref_slice %arg6[%dma_wait3A_141, %dma_wait3A_142] : memref<1024x64xf32, #tpu.memory_space<vmem>> -> memref<128x64xf32, #tpu.memory_space<vmem>>
      %dma_wait3A_144 = arith.constant 0 : i32
      %dma_wait3A_145 = tpu.memref_slice %arg5[%dma_wait3A_140, %dma_wait3A_144] : memref<8x128xi32, #tpu.memory_space<vmem>> -> memref<1x128xi32, #tpu.memory_space<vmem>>
      %dma_wait3A_146 = tpu.memref_squeeze %dma_wait3A_145 : memref<1x128xi32, #tpu.memory_space<vmem>> -> memref<128xi32, #tpu.memory_space<vmem>>
      %dma_wait3A_147 = arith.constant 0 : i32
      %dma_wait3A_148 = arith.constant 0 : i32
      %dma_wait3A_149 = tpu.memref_slice %arg2[%dma_wait3A_147, %dma_wait3A_148] : memref<1024x64xf32, #tpu.memory_space<hbm>> -> memref<1024x64xf32, #tpu.memory_space<hbm>>
      tpu.wait_indirect_dma semaphore(%arg7 : memref<!tpu.dma_semaphore, #tpu.memory_space<semaphore_mem>>) src(%dma_wait3A_149 : memref<1024x64xf32, #tpu.memory_space<hbm>>) dst(%dma_wait3A_143 : memref<128x64xf32, #tpu.memory_space<vmem>>)
      %dma_wait3A_150 = arith.constant 6 : i32
      %dma_wait3A_151 = arith.constant 768 : i32
      %dma_wait3A_152 = arith.constant 0 : i32
      %dma_wait3A_153 = tpu.memref_slice %arg6[%dma_wait3A_151, %dma_wait3A_152] : memref<1024x64xf32, #tpu.memory_space<vmem>> -> memref<128x64xf32, #tpu.memory_space<vmem>>
      %dma_wait3A_154 = arith.constant 0 : i32
      %dma_wait3A_155 = tpu.memref_slice %arg5[%dma_wait3A_150, %dma_wait3A_154] : memref<8x128xi32, #tpu.memory_space<vmem>> -> memref<1x128xi32, #tpu.memory_space<vmem>>
      %dma_wait3A_156 = tpu.memref_squeeze %dma_wait3A_155 : memref<1x128xi32, #tpu.memory_space<vmem>> -> memref<128xi32, #tpu.memory_space<vmem>>
      %dma_wait3A_157 = arith.constant 0 : i32
      %dma_wait3A_158 = arith.constant 0 : i32
      %dma_wait3A_159 = tpu.memref_slice %arg2[%dma_wait3A_157, %dma_wait3A_158] : memref<1024x64xf32, #tpu.memory_space<hbm>> -> memref<1024x64xf32, #tpu.memory_space<hbm>>
      tpu.wait_indirect_dma semaphore(%arg7 : memref<!tpu.dma_semaphore, #tpu.memory_space<semaphore_mem>>) src(%dma_wait3A_159 : memref<1024x64xf32, #tpu.memory_space<hbm>>) dst(%dma_wait3A_153 : memref<128x64xf32, #tpu.memory_space<vmem>>)
      %dma_wait3A_160 = arith.constant 7 : i32
      %dma_wait3A_161 = arith.constant 896 : i32
      %dma_wait3A_162 = arith.constant 0 : i32
      %dma_wait3A_163 = tpu.memref_slice %arg6[%dma_wait3A_161, %dma_wait3A_162] : memref<1024x64xf32, #tpu.memory_space<vmem>> -> memref<128x64xf32, #tpu.memory_space<vmem>>
      %dma_wait3A_164 = arith.constant 0 : i32
      %dma_wait3A_165 = tpu.memref_slice %arg5[%dma_wait3A_160, %dma_wait3A_164] : memref<8x128xi32, #tpu.memory_space<vmem>> -> memref<1x128xi32, #tpu.memory_space<vmem>>
      %dma_wait3A_166 = tpu.memref_squeeze %dma_wait3A_165 : memref<1x128xi32, #tpu.memory_space<vmem>> -> memref<128xi32, #tpu.memory_space<vmem>>
      %dma_wait3A_167 = arith.constant 0 : i32
      %dma_wait3A_168 = arith.constant 0 : i32
      %dma_wait3A_169 = tpu.memref_slice %arg2[%dma_wait3A_167, %dma_wait3A_168] : memref<1024x64xf32, #tpu.memory_space<hbm>> -> memref<1024x64xf32, #tpu.memory_space<hbm>>
      tpu.wait_indirect_dma semaphore(%arg7 : memref<!tpu.dma_semaphore, #tpu.memory_space<semaphore_mem>>) src(%dma_wait3A_169 : memref<1024x64xf32, #tpu.memory_space<hbm>>) dst(%dma_wait3A_163 : memref<128x64xf32, #tpu.memory_space<vmem>>)
      %mul3A_170 = arith.constant 1024 : i32
      %mul3A_171 = arith.muli %add3A_6, %mul3A_170 : i32
      "tpu.region"() ({
        %run_scoped3A = tpu.sem_alloc : memref<!tpu.dma_semaphore, #tpu.memory_space<semaphore_mem>>
        %dma_start3A_172 = arith.constant 0 : i32
        %dma_start3A_173 = tpu.memref_slice %arg4[%mul3A_171, %dma_start3A_172] : memref<36864x64xf32, #tpu.memory_space<hbm>> -> memref<1024x64xf32, #tpu.memory_space<hbm>>
        %dma_start3A_174 = arith.constant 0 : i32
        %dma_start3A_175 = tpu.memref_slice %arg4[%mul3A_171, %dma_start3A_174] : memref<36864x64xf32, #tpu.memory_space<hbm>> -> memref<1024x64xf32, #tpu.memory_space<hbm>>
        tpu.enqueue_dma source(%arg6 : memref<1024x64xf32, #tpu.memory_space<vmem>>) target(%dma_start3A_175 : memref<1024x64xf32, #tpu.memory_space<hbm>>) target_semaphore(%run_scoped3A : memref<!tpu.dma_semaphore, #tpu.memory_space<semaphore_mem>>)
        %dma_wait3A_176 = arith.constant 0 : i32
        %dma_wait3A_177 = tpu.memref_slice %arg4[%mul3A_171, %dma_wait3A_176] : memref<36864x64xf32, #tpu.memory_space<hbm>> -> memref<1024x64xf32, #tpu.memory_space<hbm>>
        %dma_wait3A_178 = arith.constant 0 : i32
        %dma_wait3A_179 = tpu.memref_slice %arg4[%mul3A_171, %dma_wait3A_178] : memref<36864x64xf32, #tpu.memory_space<hbm>> -> memref<1024x64xf32, #tpu.memory_space<hbm>>
        tpu.wait_dma2 semaphore(%run_scoped3A : memref<!tpu.dma_semaphore, #tpu.memory_space<semaphore_mem>>) src(%arg6 : memref<1024x64xf32, #tpu.memory_space<vmem>>) dst(%dma_wait3A_179 : memref<1024x64xf32, #tpu.memory_space<hbm>>)
        tpu.yield
      }) : () -> ()
    } else {
    }
    return
  }
}

module attributes {stable_mosaic.version = 14 : i64} {
  func.func @_vq_block(%arg0: i32, %arg1: memref<2048x64xf32, #tpu.memory_space<vmem>>, %arg2: memref<64x1024xf32, #tpu.memory_space<vmem>>, %arg3: memref<2048x1024xf32, #tpu.memory_space<vmem>>, %arg4: memref<2x8x128xi32, #tpu.memory_space<vmem>>, %arg5: memref<1x1xf32, #tpu.memory_space<vmem>>, %arg6: memref<1x1024xf32, #tpu.memory_space<vmem>>) attributes {dimension_semantics = [#tpu.dimension_semantics<arbitrary>], iteration_bounds = array<i64: 18>, scalar_prefetch = 0 : i64, scratch_operands = 1 : i64, tpu.core_type = #tpu.core_type<tc>, window_params = [{transform_indices = @transform_0, window_bounds = array<i64: 2048, 64>}, {pipeline_mode = #tpu.pipeline_mode<synchronous>, transform_indices = @transform_1, window_bounds = array<i64: 64, 1024>}, {transform_indices = @transform_2, window_bounds = array<i64: 2048, 1024>}, {transform_indices = @transform_3, window_bounds = array<i64: 2, 8, 128>}, {pipeline_mode = #tpu.pipeline_mode<synchronous>, transform_indices = @transform_4, window_bounds = array<i64: 1, 1>}]} {
    %eq3A = arith.constant 0 : i32
    %eq3A_0 = arith.cmpi eq, %arg0, %eq3A : i32
    %convert_element_type3A = arith.extui %eq3A_0 : i1 to i32
    %cond3A = arith.constant 0 : i32
    %cond3A_1 = arith.cmpi ne, %convert_element_type3A, %cond3A : i32
    scf.if %cond3A_1 {
      %get3A_44 = arith.constant 0 : index
      %get3A_45 = arith.constant 0 : index
      %get3A_46 = vector.load %arg2[%get3A_44, %get3A_45] : memref<64x1024xf32, #tpu.memory_space<vmem>>, vector<64x1024xf32>
      %mul3A_47 = arith.mulf %get3A_46, %get3A_46 : vector<64x1024xf32>
      %reduce_sum3A_48 = arith.constant dense<0.000000e+00> : vector<1024xf32>
      %reduce_sum3A_49 = vector.multi_reduction <add>, %mul3A_47, %reduce_sum3A_48 [0] : vector<64x1024xf32> to vector<1024xf32>
      %broadcast_in_dim3A_50 = vector.shape_cast %reduce_sum3A_49 : vector<1024xf32> to vector<1x1024xf32>
      %swap3A_51 = arith.constant 0 : index
      %swap3A_52 = arith.constant 0 : index
      %swap3A_53 = vector.load %arg6[%swap3A_51, %swap3A_52] : memref<1x1024xf32, #tpu.memory_space<vmem>>, vector<1x1024xf32>
      tpu.vector_store %arg6[%swap3A_51, %swap3A_52], %broadcast_in_dim3A_50 {strides = array<i32>} : memref<1x1024xf32, #tpu.memory_space<vmem>>, vector<1x1024xf32>,
      %broadcast_in_dim3A_54 = arith.constant 0.000000e+00 : f32
      %broadcast_in_dim3A_55 = vector.broadcast %broadcast_in_dim3A_54 : f32 to vector<1x1xf32>
      %swap3A_56 = arith.constant 0 : index
      %swap3A_57 = arith.constant 0 : index
      %swap3A_58 = vector.load %arg5[%swap3A_56, %swap3A_57] : memref<1x1xf32, #tpu.memory_space<vmem>>, vector<1x1xf32>
      tpu.vector_store %arg5[%swap3A_56, %swap3A_57], %broadcast_in_dim3A_55 {strides = array<i32>} : memref<1x1xf32, #tpu.memory_space<vmem>>, vector<1x1xf32>,
    } else {
    }
    %get3A = arith.constant 0 : index
    %get3A_2 = arith.constant 0 : index
    %get3A_3 = vector.load %arg1[%get3A, %get3A_2] : memref<2048x64xf32, #tpu.memory_space<vmem>>, vector<2048x64xf32>
    %get3A_4 = arith.constant 0 : index
    %get3A_5 = arith.constant 0 : index
    %get3A_6 = vector.load %arg2[%get3A_4, %get3A_5] : memref<64x1024xf32, #tpu.memory_space<vmem>>, vector<64x1024xf32>
    %dot_general3A = arith.constant dense<0.000000e+00> : vector<2048x1024xf32>
    %dot_general3A_7 = tpu.matmul %get3A_3, %get3A_6, %dot_general3A {dimension_numbers = #tpu.dot_dimension_numbers<[1], [0], [0], [1], [0, 0, 1, 1], [], []>, transpose_lhs_hint = false} : vector<2048x64xf32>, vector<64x1024xf32>, vector<2048x1024xf32> -> vector<2048x1024xf32>
    %mul3A = arith.mulf %get3A_3, %get3A_3 : vector<2048x64xf32>
    %reduce_sum3A = arith.constant dense<0.000000e+00> : vector<2048xf32>
    %reduce_sum3A_8 = vector.multi_reduction <add>, %mul3A, %reduce_sum3A [1] : vector<2048x64xf32> to vector<2048xf32>
    %broadcast_in_dim3A = vector.shape_cast %reduce_sum3A_8 : vector<2048xf32> to vector<2048x1xf32>
    %get3A_9 = arith.constant 0 : index
    %get3A_10 = arith.constant 0 : index
    %get3A_11 = vector.load %arg6[%get3A_9, %get3A_10] : memref<1x1024xf32, #tpu.memory_space<vmem>>, vector<1x1024xf32>
    %add3A = vector.broadcast %broadcast_in_dim3A : vector<2048x1xf32> to vector<2048x1024xf32>
    %add3A_12 = vector.broadcast %get3A_11 : vector<1x1024xf32> to vector<2048x1024xf32>
    %add3A_13 = arith.addf %add3A, %add3A_12 : vector<2048x1024xf32>
    %mul3A_14 = arith.constant 2.000000e+00 : f32
    %mul3A_15 = vector.broadcast %mul3A_14 : f32 to vector<2048x1024xf32>
    %mul3A_16 = arith.mulf %mul3A_15, %dot_general3A_7 : vector<2048x1024xf32>
    %sub3A = arith.subf %add3A_13, %mul3A_16 : vector<2048x1024xf32>
    %div3A = arith.constant 1.000000e+00 : f32
    %div3A_17 = vector.broadcast %div3A : f32 to vector<2048x1024xf32>
    %div3A_18 = arith.divf %div3A_17, %sub3A : vector<2048x1024xf32>
    %integer_pow3A = arith.mulf %div3A_18, %div3A_18 : vector<2048x1024xf32>
    %reduce_sum3A_19 = arith.constant dense<0.000000e+00> : vector<2048xf32>
    %reduce_sum3A_20 = vector.multi_reduction <add>, %integer_pow3A, %reduce_sum3A_19 [1] : vector<2048x1024xf32> to vector<2048xf32>
    %broadcast_in_dim3A_21 = vector.shape_cast %reduce_sum3A_20 : vector<2048xf32> to vector<2048x1xf32>
    %div3A_22 = vector.broadcast %broadcast_in_dim3A_21 : vector<2048x1xf32> to vector<2048x1024xf32>
    %div3A_23 = arith.divf %integer_pow3A, %div3A_22 : vector<2048x1024xf32>
    %swap3A = arith.constant 0 : index
    %swap3A_24 = arith.constant 0 : index
    %swap3A_25 = vector.load %arg3[%swap3A, %swap3A_24] : memref<2048x1024xf32, #tpu.memory_space<vmem>>, vector<2048x1024xf32>
    tpu.vector_store %arg3[%swap3A, %swap3A_24], %div3A_23 {strides = array<i32>} : memref<2048x1024xf32, #tpu.memory_space<vmem>>, vector<2048x1024xf32>,
    %argmin3A = tpu.reduce_index %sub3A {axis = 1 : i32, kind = #tpu.reduction_kind<arg_min>} : vector<2048x1024xf32> -> vector<2048xi32>
    %reshape3A = vector.shape_cast %argmin3A : vector<2048xi32> to vector<2x8x128xi32>
    %swap3A_26 = arith.constant 0 : index
    %swap3A_27 = arith.constant 0 : index
    %swap3A_28 = arith.constant 0 : index
    %swap3A_29 = vector.load %arg4[%swap3A_26, %swap3A_27, %swap3A_28] : memref<2x8x128xi32, #tpu.memory_space<vmem>>, vector<2x8x128xi32>
    tpu.vector_store %arg4[%swap3A_26, %swap3A_27, %swap3A_28], %reshape3A {strides = array<i32>} : memref<2x8x128xi32, #tpu.memory_space<vmem>>, vector<2x8x128xi32>,
    %reduce_min3A = arith.constant dense<0x7F800000> : vector<2048xf32>
    %reduce_min3A_30 = vector.multi_reduction <minimumf>, %sub3A, %reduce_min3A [1] : vector<2048x1024xf32> to vector<2048xf32>
    %get3A_31 = arith.constant 0 : index
    %get3A_32 = arith.constant 0 : index
    %get3A_33 = vector.load %arg5[%get3A_31, %get3A_32] : memref<1x1xf32, #tpu.memory_space<vmem>>, vector<1x1xf32>
    %reduce_sum3A_34 = vector.shape_cast %reduce_min3A_30 : vector<2048xf32> to vector<1x2048xf32>
    %reduce_sum3A_35 = arith.constant dense<0.000000e+00> : vector<1xf32>
    %reduce_sum3A_36 = vector.multi_reduction <add>, %reduce_sum3A_34, %reduce_sum3A_35 [1] : vector<1x2048xf32> to vector<1xf32>
    %reduce_sum3A_37 = vector.shape_cast %reduce_sum3A_36 : vector<1xf32> to vector<1x1xf32>
    %reduce_sum3A_38 = vector.extract %reduce_sum3A_37[0, 0] : f32 from vector<1x1xf32>
    %reshape3A_39 = vector.broadcast %reduce_sum3A_38 : f32 to vector<1x1xf32>
    %add3A_40 = arith.addf %get3A_33, %reshape3A_39 : vector<1x1xf32>
    %swap3A_41 = arith.constant 0 : index
    %swap3A_42 = arith.constant 0 : index
    %swap3A_43 = vector.load %arg5[%swap3A_41, %swap3A_42] : memref<1x1xf32, #tpu.memory_space<vmem>>, vector<1x1xf32>
    tpu.vector_store %arg5[%swap3A_41, %swap3A_42], %add3A_40 {strides = array<i32>} : memref<1x1xf32, #tpu.memory_space<vmem>>, vector<1x1xf32>,
    return
  }
  func.func @transform_0(%arg0: i32) -> (i32, i32) {
    %c0_i32 = arith.constant 0 : i32
    %c0_i32_0 = arith.constant 0 : i32
    return %arg0, %c0_i32 : i32, i32
  }
  func.func @transform_1(%arg0: i32) -> (i32, i32) {
    %c0_i32 = arith.constant 0 : i32
    %c0_i32_0 = arith.constant 0 : i32
    %c0_i32_1 = arith.constant 0 : i32
    return %c0_i32, %c0_i32_0 : i32, i32
  }
  func.func @transform_2(%arg0: i32) -> (i32, i32) {
    %c0_i32 = arith.constant 0 : i32
    %c0_i32_0 = arith.constant 0 : i32
    return %arg0, %c0_i32 : i32, i32
  }
  func.func @transform_3(%arg0: i32) -> (i32, i32, i32) {
    %c0_i32 = arith.constant 0 : i32
    %c0_i32_0 = arith.constant 0 : i32
    %c0_i32_1 = arith.constant 0 : i32
    return %arg0, %c0_i32, %c0_i32_0 : i32, i32, i32
  }
  func.func @transform_4(%arg0: i32) -> (i32, i32) {
    %c0_i32 = arith.constant 0 : i32
    %c0_i32_0 = arith.constant 0 : i32
    %c0_i32_1 = arith.constant 0 : i32
    return %c0_i32, %c0_i32_0 : i32, i32
  }
}

</mosaic_0001>

<sc_bundles>
// kernel: kernel.4.cloned.1.call-start
scs
__scs_entry_jumppad:
0x0: {  	(pc) =	sbr.rel $0x88, $3  }
0x1: {  	(tag) =	ssettag $0x0;
	lr =	simm.s32 $0x1  }
0x2: {  	[smem:$0x3F9F] =	sst lr;
	_ =	strace $0xD0000000  }
0x3: {  	_ = 	snop  }
0x4: {  	_ = 	snop  }
0x5: {  	_ = 	snop  }
0x6: {  	_ = 	snop  }
0x7: {  	_ = 	snop  }
__scs_overlays_trampoline_lowered:
0x8: {  	[smem:$0x3FAE] =	sst s0  }
0x9: {  	[smem:$0x3FAF] =	sst s1  }
0xa: {  	[smem:$0x3FB0] =	sst s2  }
0xb: {  	[smem:$0x3FB1] =	sst s3  }
0xc: {  	[smem:$0x3FB2] =	sst s4  }
0xd: {  	[smem:$0x3FB3] =	sst s5  }
0xe: {  	[smem:$0x3FB4] =	sst s6  }
0xf: {  	[smem:$0x3FB5] =	sst s7  }
0x10: {  	[smem:$0x3FB6] =	sst s8  }
0x11: {  	[smem:$0x3FB7] =	sst s9;
	s0 =	simm.s32 @!p0 $0x0  }
0x12: {  	s1 =	sld [smem:$0x3F9D];
	s0 =	simm.s32 @p0 $0x1  }
0x13: {  	[smem:$0x3FB8] =	sst s0;
	s0 =	simm.s32 @!p1 $0x0  }
0x14: {  	s2 =	sld [smem:$0x3F9C];
	s0 =	simm.s32 @p1 $0x1  }
0x15: {  	[smem:$0x3FB9] =	sst s0;
	s0 =	simm.s32 @!p2 $0x0  }
0x16: {  	s3 =	sld [smem:$0x3FDB];
	s0 =	simm.s32 @p2 $0x1  }
0x17: {  	s4 =	simm.s32 $0x1BF5;
	[smem:$0x3FBB] =	sst s0  }
0x18: {  	s0 =	sld [smem:$0x3F9E];
	_ =	swait.ge [sflag:s4], $0x0  }
0x19: {  	s7 =	sld [smem:$0x3F9F]  }
0x1a: {  	s8 =	sadd.s32 $0xFFFFE003, lr  }
0x1b: {  	s9 =	sadd.s32 $0xFFFFFEF7, lr;
	s5 =	simm.s32 $0xFFFFFFFF;
	p2 =	slt.u32 s8, $0xFFFFF086  }
0x1c: {  	p1 =	slt.u32 s9, $0xF7A;
	s5 =	simm.s32 @!p2 $0x0  }
0x1d: {  	s5 =	simm.s32 @p1 $0x1;
	p0 =	seq.s32 s7, s2  }
0x1e: {  	s7 =	smul.u32 @!p0 $0xF7A, s2;
	p2 =	seq.s32 @!p0 s5, $0x0  }
0x1f: {  	s9 =	smul.u32 $0xF7A, s1;
	s8 =	simm.s32 @!p0 $0x1BF5;
	p2 =	por !p2, p0  }
0x20: {  	[sflag:s8] =	ssyncset.s32 @!p0 $0xFFFFF086;
	s6 =	sadd.s32 @!p0 s3, s7;
	s7 =	simm.s32 @!p0 $0x108  }
0x21: {  	s3 =	sadd.s32 s3, s9;
	s6 =	sadd.s32 @!p0 $0x88, s6;
	s7 =	simm.s32 @p2 $0x1082  }
0x22: {  	[simem:s7], [sflag:s8] =	dma.local @!p0 [hbm:s6], $0xF7A  }
0x23: {  	s9 =	sor.u32 $0xD0000000, s2;
	s6 =	simm.s32 $0x108;
	_ =	swait.ge @!p0 [sflag:s8], $0x0  }
0x24: {  	s3 =	sadd.s32 $0x88, s3;
	s6 =	simm.s32 @!p1 $0x1082;
	[sflag:s4] =	ssyncset.s32 $0xFFFFF086  }
0x25: {  	[simem:s6], [sflag:s4] =	dma.local [hbm:s3], $0xF7A  }
0x26: {  	[smem:$0x3F9F] =	sst s1;
	(tag) =	ssettag s2;
	_ =	strace s9  }
0x27: {  	s1 =	sld [smem:$0x3FAF]  }
0x28: {  	s2 =	sld [smem:$0x3FB0]  }
0x29: {  	s4 =	sld [smem:$0x3FB2]  }
0x2a: {  	p0 =	seq.s32 s5, $0x0;
	s5 =	sld [smem:$0x3FB3]  }
0x2b: {  	s6 =	sld [smem:$0x3FB4]  }
0x2c: {  	s7 =	sld [smem:$0x3FB5]  }
0x2d: {  	s3 =	simm.s32 $0x108;
	s8 =	sld [smem:$0x3FB6]  }
0x2e: {  	s3 =	simm.s32 @!p0 $0x1082;
	s9 =	sld [smem:$0x3FB7]  }
0x2f: {  	lr =	sadd.s32 s0, s3;
	s0 =	sld [smem:$0x3FAE]  }
0x30: {  	s3 =	sld [smem:$0x3FB1]  }
0x31: {  	[smem:$0x3FBA] =	sst s10  }
0x32: {  	s10 =	sld [smem:$0x3FB8];
	_ =	sdelay $0x3  }
0x33: {  	p0 =	seq.s32 s10, $0x1;
	s10 =	sld [smem:$0x3FBA];
	_ =	sdelay $0x3  }
0x34: {  	[smem:$0x3FBA] =	sst s10  }
0x35: {  	s10 =	sld [smem:$0x3FB9];
	_ =	sdelay $0x3  }
0x36: {  	p1 =	seq.s32 s10, $0x1;
	s10 =	sld [smem:$0x3FBA];
	_ =	sdelay $0x3  }
0x37: {  	[smem:$0x3FBA] =	sst s10  }
0x38: {  	s10 =	sld [smem:$0x3FBB]  }
0x39: {  	_ = 	snop;
	(pc) =	sbr.ind lr, $3  }
0x3a: {  	_ = 	snop  }
0x3b: {  	_ = 	snop  }
0x3c: {  	p2 =	seq.s32 s10, $0x1;
	s10 =	sld [smem:$0x3FBA]  }
0x3d: {  	_ =	shalt  }
0x3e: {  	_ =	shalt  }
0x3f: {  	_ =	shalt  }
0x40: {  	_ =	shalt  }
0x41: {  	_ =	shalt  }
0x42: {  	_ =	shalt  }
0x43: {  	_ =	shalt  }
0x44: {  	_ =	shalt  }
0x45: {  	_ =	shalt  }
0x46: {  	_ =	shalt  }
0x47: {  	_ =	shalt  }
0x48: {  	_ =	shalt  }
0x49: {  	_ =	shalt  }
0x4a: {  	_ =	shalt  }
0x4b: {  	_ =	shalt  }
0x4c: {  	_ =	shalt  }
0x4d: {  	_ =	shalt  }
0x4e: {  	_ =	shalt  }
0x4f: {  	_ =	shalt  }
0x50: {  	_ =	shalt  }
0x51: {  	_ =	shalt  }
0x52: {  	_ =	shalt  }
0x53: {  	_ =	shalt  }
0x54: {  	_ =	shalt  }
0x55: {  	_ =	shalt  }
0x56: {  	_ =	shalt  }
0x57: {  	_ =	shalt  }
0x58: {  	_ =	shalt  }
0x59: {  	_ =	shalt  }
0x5a: {  	_ =	shalt  }
0x5b: {  	_ =	shalt  }
0x5c: {  	_ =	shalt  }
0x5d: {  	_ =	shalt  }
0x5e: {  	_ =	shalt  }
0x5f: {  	_ =	shalt  }
0x60: {  	_ =	shalt  }
0x61: {  	_ =	shalt  }
0x62: {  	_ =	shalt  }
0x63: {  	_ =	shalt  }
0x64: {  	_ =	shalt  }
0x65: {  	_ =	shalt  }
0x66: {  	_ =	shalt  }
0x67: {  	_ =	shalt  }
0x68: {  	_ =	shalt  }
0x69: {  	_ =	shalt  }
0x6a: {  	_ =	shalt  }
0x6b: {  	_ =	shalt  }
0x6c: {  	_ =	shalt  }
0x6d: {  	_ =	shalt  }
0x6e: {  	_ =	shalt  }
0x6f: {  	_ =	shalt  }
0x70: {  	_ =	shalt  }
0x71: {  	_ =	shalt  }
0x72: {  	_ =	shalt  }
0x73: {  	_ =	shalt  }
0x74: {  	_ =	shalt  }
0x75: {  	_ =	shalt  }
0x76: {  	_ =	shalt  }
0x77: {  	_ =	shalt  }
0x78: {  	_ =	shalt  }
0x79: {  	_ =	shalt  }
0x7a: {  	_ =	shalt  }
0x7b: {  	_ =	shalt  }
0x7c: {  	_ =	shalt  }
0x7d: {  	_ =	shalt  }
0x7e: {  	_ =	shalt  }
0x7f: {  	_ =	shalt  }
0x80: {  	_ =	shalt  }
0x81: {  	_ =	shalt  }
0x82: {  	_ =	shalt  }
0x83: {  	_ =	shalt  }
0x84: {  	_ =	shalt  }
0x85: {  	_ =	shalt  }
0x86: {  	_ =	shalt  }
0x87: {  	_ =	shalt  }
.Lfunc_end0:
.L_simem_size_0:
called_computation_lowered:
.L_overlay_start_0:
0x88: {  	s2 =	sld [smem:$0x3FD9]  }
0x89: {  	s3 =	sld [smem:$0x3FFE];
	_ =	sdelay $0x1  }
0x8a: {  	s1 =	srdreg.scid  }
0x8b: {  	s0 =	sand.u32 $0x1, s1  }
0x8c: {  	s14 =	sshll.u32 s0, $0xA;
	s2 =	sadd.s32 s3, s2  }
0x8d: {  	s2 =	sadd.s32 s2, s14  }
0x8e: {  	[smem:$0x3FC6] =	sst s2  }
0x8f: {  	_ = 	snop  }
0x90: {  	s2 =	sld [smem:$0x3FD0];
	_ =	sdelay $0x2  }
0x91: {  	s15 =	simm.s32 $0xA;
	s4 =	simm.s32 $0x10  }
0x92: {  	[smem:s4], [sflag:s15] =	dma.local [hbm:s2], $0x1  }
0x93: {  	_ =	swait.eq [sflag:s15], $0x1  }
0x94: {  	[sflag:s15] =	ssyncset.done $0x0  }
0x95: {  	[sflag:s15] =	ssyncadd.s32 $0xFFFFFFFF  }
0x96: {  	s16 =	sld [smem:$0x10];
	(tm) =	ssettm $0x1  }
0x97: {  	s17 =	sld [smem:$0x3FFB];
	_ =	sdelay $0x3  }
0x98: {  	_ =	strace s17  }
0x99: {  	s3 =	sld [smem:$0x3FFC];
	_ =	sdelay $0x3  }
0x9a: {  	_ =	strace s3  }
0x9b: {  	s3 =	sld [smem:$0x3FFD];
	_ =	sdelay $0x3  }
0x9c: {  	_ =	strace s3  }
0x9d: {  	_ =	strace $0x8FFFFFFF  }
0x9e: {  	s18 =	sld [smem:$0x3FDB];
	_ =	sdelay $0x1  }
0x9f: {  	s19 =	simm.s32 $_scs_section_size  }
0xa0: {  	s5 =	simm.s32 $_size__tile_overlayer_lowered;
	s6 =	simm.s32 $_tile_overlayer_lowered  }
0xa1: {  	s22 =	simm.s32 $0x1BFF;
	s21 =	sshll.u32 s6, $0x1;
	s3 =	sadd.s32 s19, s18  }
0xa2: {  	s7 =	simm.s32 $0x0;
	s20 =	sshll.u32 s5, $0x1;
	s5 =	sadd.s32 s21, s3  }
0xa3: {  	[timem:s7], [sflag:s22] =	dma.local [hbm:s5], s20  }
0xa4: {  	_ =	swait.ge [sflag:s22], s20  }
0xa5: {  	s4 =	ssub.s32 $0x0, s20;
	[sflag:s22] =	ssyncset.done $0x0  }
0xa6: {  	[sflag:s22] =	ssyncadd.s32 s4;
	_ =	sdelay $0x1  }
0xa7: {  	s23 =	simm.s32 $0x1B8B  }
0xa8: {  	_ =	swait.ge [sflag:s23], $0x1  }
0xa9: {  	[sflag:s23] =	ssyncset.done $0x0  }
0xaa: {  	s25 =	simm.s32 $0x1B8E;
	s24 =	sld [smem:$0x3FFE];
	[sflag:s23] =	ssyncadd.s32 $0xFFFFFFFF  }
0xab: {  	s26 =	simm.s32 $execute0_lowered;
	[smem:$0x3FD2] =	sst s25  }
0xac: {  	s5 =	sshll.u32 s26, $0x1;
	_ =	strace $0x80000046;
	[dreg:$0x1] =	wrdreg $0xFFFFFFFF  }
0xad: {  	s28 =	simm.s32 $_size_execute0_lowered;
	s3 =	sadd.s32 s3, s5;
	[dreg:$0x0] =	wrdreg $0x0  }
0xae: {  	s5 =	sshll.u32 s28, $0x1;
	[dreg:$0x2] =	wrdreg s3  }
0xaf: {  	[dreg:$0x3] =	wrdreg s5  }
0xb0: {  	[dreg:$0x4] =	wrdreg $0xC0  }
0xb1: {  	_ =	task [dreg:s7], $0x5FFFF  }
0xb2: {  	[dreg:$0x1] =	wrdreg $0xFFFFFFFF  }
0xb3: {  	[dreg:$0x0] =	wrdreg $0x60  }
0xb4: {  	[dreg:$0x2] =	wrdreg s24  }
0xb5: {  	[dreg:$0x3] =	wrdreg s16  }
0xb6: {  	[dreg:$0x4] =	wrdreg $0x9  }
0xb7: {  	_ =	task.clear_ibuf [dreg:s7], $0x5FFFF;
	_ =	strace $0x90000046  }
0xb8: {  	s29 =	simm.s32 $0x9;
	_ =	strace $0x80000048  }
0xb9: {  	_ =	swait.ge [sflag:s29], $0x1  }
0xba: {  	[sflag:s29] =	ssyncadd.s32 $0xFFFFFFFF  }
0xbb: {  	_ =	strace $0x90000048  }
0xbc: {  	_ =	sfence  }
0xbd: {  	s30 =	sld [smem:$0x0];
	_ =	sdelay $0x2  }
0xbe: {  	s31 =	sshll.u32 s1, $0xD;
	s1 =	sshrl.u32 s1, $0x2  }
0xbf: {  	s3 =	sand.u32 $0x4000, s31;
	s1 =	sadd.s32 s1, s30  }
0xc0: {  	s0 =	sor.u32 s3, s0;
	s1 =	sshll.u32 s1, $0x11  }
0xc1: {  	s0 =	sor.u32 s1, s0  }
0xc2: {  	s0 =	sadd.s32 $0x8F2B, s0  }
0xc3: {  	[sflag:s0] =	ssyncadd.remote.s32 $0x1  }
0xc4: {  	_ =	sfence.sel $0xFFFF  }
0xc5: {  	[dreg:$0x0] =	wrdreg $0xFFFFFFFF;
	(pc) =	sbr.abs _section_cstart, $3  }
0xc6: {  	[dreg:$0x1] =	wrdreg $0xFFFFFFFF  }
0xc7: {  	_ =	task.clear_ibuf [dreg:s7], $0x2FFFF;
	_ =	strace $0x9FFFFFFF  }
0xc8: {  	(tm) =	ssettm $0x7FFFFFFF  }
0xc9: {  	_ =	shalt  }
tec
execute0_lowered:
.L_overlay_start_1:
0x0: {  	(tag) =	ssettag $0x1  }
0x1: {  	s0 =	rddreg [dreg:$0x0]  }
0x2: {  	s1 =	rddreg [dreg:$0x1]  }
0x3: {  	s10 =	rddreg [dreg:$0x2]  }
0x4: {  	s3 =	simm.s32 $0x0;
	s2 =	srdreg.scid;
	s11 =	stileid.u32  }
0x5: {  	s26 =	simm.s32 $0x2400;
	s28 =	simm.s32 $0x100;
	s29 =	simm.s32 $0x4400  }
0x6: {  	s30 =	simm.s32 $0x180;
	s31 =	simm.s32 $0x6400;
	s12 =	simm.s32 $0x200  }
0x7: {  	s13 =	simm.s32 $0x8400;
	s14 =	simm.s32 $0x280;
	[smem:$0x7FF] =	sst s3  }
0x8: {  	s4 =	sand.u32 $0x1, s2;
	s21 =	sshll.u32 s11, $0x1;
	s2 =	sadd.s32 $0xA00, s0  }
0x9: {  	s0 =	sadd.s32 $0x2A00, s0;
	_ =	strace $0x80000047;
	[dreg:$0x7] =	wrdreg s26  }
0xa: {  	s5 =	sor.u32 s4, s21;
	s4 =	ssub.s32 $0x2, s4;
	[dreg:$0x8] =	wrdreg s28  }
0xb: {  	s6 =	sshll.u32 s5, $0x7;
	s7 =	sshll.u32 s5, $0xD;
	s5 =	sor.u32 $0x20, s5  }
0xc: {  	s25 =	sshrl.u32 s4, $0x1;
	s23 =	sshll.u32 s5, $0x7;
	s5 =	sshll.u32 s5, $0xD  }
0xd: {  	s22 =	sadd.s32 s1, s7;
	s24 =	sadd.s32 s1, s5;
	s1 =	ssub.s32 s4, s25  }
0xe: {  	s6 =	sadd.s32 s0, s6;
	s0 =	sadd.s32 s0, s23;
	s1 =	smax.u32 s1, $0x1  }
0xf: {  	s15 =	simm.s32 $0xA400;
	[dreg:$0x5] =	wrdreg s0;
	s0 =	sadd.s32 $0xFFFFFFFF, s1  }
0x10: {  	s17 =	simm.s32 $0x300;
	[dreg:$0x9] =	wrdreg s29;
	p2 =	sne.s32 s0, $0x0  }
.Ltmp0:
0x11: {  	s18 =	simm.s32 $0xC400;
	[dreg:$0xa] =	wrdreg s30;
	(pc) =	sbr.rel @!p2 .LBB2_5-.Ltmp0, $4  }
0x12: {  	s19 =	simm.s32 $0x380;
	s20 =	simm.s32 $0xE400;
	[dreg:$0xb] =	wrdreg s31  }
0x13: {  	p1 =	por $0x0, $0x0;
	p0 =	sgt.u32 s11, $0x1;
	[dreg:$0x3] =	wrdreg s6  }
0x14: {  	s7 =	simm.s32 $0x80;
	[dreg:$0x4] =	wrdreg s22;
	s4 =	simm.s32 $0x2  }
0x15: {  	s5 =	simm.s32 $0x400;
	s6 =	simm.s32 $0x1;
	[dreg:$0x6] =	wrdreg s24  }
0x16: {  	s23 =	rddreg [dreg:$0x3]  }
0x17: {  	[tilespmem:s3], [sflag:$0x2] =	stream.linear.gather [hbm4b:s23+s3], $0x400, $0x38;
	[tilespmem:$0x10400] =	vst v63  }
0x18: {  	_ =	swait.ge [sflag:s4], $0x400  }
0x19: {  	s24 =	rddreg [dreg:$0x8];
	[sflag:s4] =	ssyncset.done $0x0  }
0x1a: {  	s1 =	rddreg [dreg:$0x7];
	[sflag:s4] =	ssyncadd.s32 $0xFFFFFC00  }
0x1b: {  	[tilespmem:s5], [sflag:$0x1] =	stream.indirect.gather [hbm4b:s2+s7], $0x40, s3, s7, $0xb8;
	[tilespmem:$0x10400] =	vst v63  }
0x1c: {  	s8 =	rddreg [dreg:$0x9]  }
0x1d: {  	[tilespmem:s1], [sflag:$0x1] =	stream.indirect.gather [hbm4b:s2+s7], $0x40, s7, s7, $0xb8;
	[tilespmem:$0x10400] =	vst v63  }
0x1e: {  	s16 =	rddreg [dreg:$0xb]  }
0x1f: {  	[tilespmem:s8], [sflag:$0x1] =	stream.indirect.gather [hbm4b:s2+s7], $0x40, s24, s7, $0xb8;
	[tilespmem:$0x10400] =	vst v63  }
0x20: {  	s25 =	rddreg [dreg:$0xa]  }
0x21: {  	[tilespmem:s16], [sflag:$0x1] =	stream.indirect.gather [hbm4b:s2+s7], $0x40, s25, s7, $0xb8;
	[tilespmem:$0x10400] =	vst v63  }
0x22: {  	_ = 	snop  }
0x23: {  	[tilespmem:s13], [sflag:$0x1] =	stream.indirect.gather [hbm4b:s2+s7], $0x40, s12, s7, $0xb8;
	[tilespmem:$0x10400] =	vst v63  }
0x24: {  	_ = 	snop  }
0x25: {  	[tilespmem:s15], [sflag:$0x1] =	stream.indirect.gather [hbm4b:s2+s7], $0x40, s14, s7, $0xb8;
	[tilespmem:$0x10400] =	vst v63  }
0x26: {  	_ = 	snop  }
0x27: {  	[tilespmem:s18], [sflag:$0x1] =	stream.indirect.gather [hbm4b:s2+s7], $0x40, s17, s7, $0xb8;
	[tilespmem:$0x10400] =	vst v63  }
0x28: {  	_ = 	snop  }
0x29: {  	[tilespmem:s20], [sflag:$0x1] =	stream.indirect.gather [hbm4b:s2+s7], $0x40, s19, s7, $0xb8;
	[tilespmem:$0x10400] =	vst v63  }
0x2a: {  	_ =	swait.ge [sflag:s6], $0x2000  }
0x2b: {  	[sflag:s6] =	ssyncset.done $0x0  }
0x2c: {  	[sflag:s6] =	ssyncadd.s32 $0xFFFFE000  }
0x2d: {  	_ =	swait.ge [sflag:s6], $0x2000  }
0x2e: {  	[sflag:s6] =	ssyncset.done $0x0  }
0x2f: {  	[sflag:s6] =	ssyncadd.s32 $0xFFFFE000  }
0x30: {  	_ =	swait.ge [sflag:s6], $0x2000  }
0x31: {  	[sflag:s6] =	ssyncset.done $0x0  }
0x32: {  	[sflag:s6] =	ssyncadd.s32 $0xFFFFE000  }
0x33: {  	_ =	swait.ge [sflag:s6], $0x2000  }
0x34: {  	[sflag:s6] =	ssyncset.done $0x0  }
0x35: {  	[sflag:s6] =	ssyncadd.s32 $0xFFFFE000  }
0x36: {  	_ =	swait.ge [sflag:s6], $0x2000  }
0x37: {  	[sflag:s6] =	ssyncset.done $0x0  }
0x38: {  	[sflag:s6] =	ssyncadd.s32 $0xFFFFE000  }
0x39: {  	_ =	swait.ge [sflag:s6], $0x2000  }
0x3a: {  	[sflag:s6] =	ssyncset.done $0x0  }
0x3b: {  	[sflag:s6] =	ssyncadd.s32 $0xFFFFE000  }
0x3c: {  	_ =	swait.ge [sflag:s6], $0x2000  }
0x3d: {  	[sflag:s6] =	ssyncset.done $0x0  }
0x3e: {  	[sflag:s6] =	ssyncadd.s32 $0xFFFFE000  }
0x3f: {  	_ =	swait.ge [sflag:s6], $0x2000  }
0x40: {  	[sflag:s6] =	ssyncset.done $0x0  }
0x41: {  	s26 =	rddreg [dreg:$0x4];
	[sflag:s6] =	ssyncadd.s32 $0xFFFFE000  }
0x42: {  	[hbm4b:s26+s3] =	stream.linear.scatter [tilespmem:s5], [sflag:$0x2], $0x10000, $0x38;
	[tilespmem:$0x10400] =	vst v63  }
0x43: {  	_ =	swait.ge [sflag:s4], $0x10000  }
0x44: {  	s10 =	smov.u32 s0;
	s16 =	simm.s32 @!p0 $0x2;
	[sflag:s4] =	ssyncset.done $0x0  }
0x45: {  	s17 =	simm.s32 @!p0 $0x0;
	s0 =	rddreg [dreg:$0x5];
	[sflag:s4] =	ssyncadd.s32 $0xFFFF0000  }
0x46: {  	[tilespmem:s17], [sflag:$0x2] =	stream.linear.gather @!p0 [hbm4b:s0+s17], $0x400, $0x38;
	[tilespmem:$0x10400] =	vst v63  }
0x47: {  	_ =	swait.ge @!p0 [sflag:s16], $0x400  }
0x48: {  	[sflag:s16] =	ssyncset.done @!p0 $0x0  }
0x49: {  	s18 =	simm.s32 @!p0 $0x80;
	s19 =	simm.s32 @!p0 $0x400;
	[sflag:s16] =	ssyncadd.s32 @!p0 $0xFFFFFC00  }
0x4a: {  	[tilespmem:s19], [sflag:$0x1] =	stream.indirect.gather @!p0 [hbm4b:s2+s18], $0x40, s17, s18, $0xb8;
	[tilespmem:$0x10400] =	vst v63  }
0x4b: {  	s20 =	simm.s32 @!p0 $0x2400  }
0x4c: {  	[tilespmem:s20], [sflag:$0x1] =	stream.indirect.gather @!p0 [hbm4b:s2+s18], $0x40, s18, s18, $0xb8;
	[tilespmem:$0x10400] =	vst v63  }
0x4d: {  	s21 =	simm.s32 @!p0 $0x100;
	s22 =	simm.s32 @!p0 $0x4400  }
0x4e: {  	[tilespmem:s22], [sflag:$0x1] =	stream.indirect.gather @!p0 [hbm4b:s2+s18], $0x40, s21, s18, $0xb8;
	[tilespmem:$0x10400] =	vst v63  }
0x4f: {  	s23 =	simm.s32 @!p0 $0x180;
	s24 =	simm.s32 @!p0 $0x6400  }
0x50: {  	[tilespmem:s24], [sflag:$0x1] =	stream.indirect.gather @!p0 [hbm4b:s2+s18], $0x40, s23, s18, $0xb8;
	[tilespmem:$0x10400] =	vst v63  }
0x51: {  	s25 =	simm.s32 @!p0 $0x200;
	s26 =	simm.s32 @!p0 $0x8400  }
0x52: {  	[tilespmem:s26], [sflag:$0x1] =	stream.indirect.gather @!p0 [hbm4b:s2+s18], $0x40, s25, s18, $0xb8;
	[tilespmem:$0x10400] =	vst v63  }
0x53: {  	s28 =	simm.s32 @!p0 $0x280;
	s29 =	simm.s32 @!p0 $0xA400  }
0x54: {  	[tilespmem:s29], [sflag:$0x1] =	stream.indirect.gather @!p0 [hbm4b:s2+s18], $0x40, s28, s18, $0xb8;
	[tilespmem:$0x10400] =	vst v63  }
0x55: {  	s30 =	simm.s32 @!p0 $0x300;
	s31 =	simm.s32 @!p0 $0xC400  }
0x56: {  	[tilespmem:s31], [sflag:$0x1] =	stream.indirect.gather @!p0 [hbm4b:s2+s18], $0x40, s30, s18, $0xb8;
	[tilespmem:$0x10400] =	vst v63  }
0x57: {  	s1 =	simm.s32 @!p0 $0xE400;
	s8 =	simm.s32 @!p0 $0x1;
	s0 =	simm.s32 @!p0 $0x380  }
0x58: {  	[tilespmem:s1], [sflag:$0x1] =	stream.indirect.gather @!p0 [hbm4b:s2+s18], $0x40, s0, s18, $0xb8;
	[tilespmem:$0x10400] =	vst v63  }
0x59: {  	_ =	swait.ge @!p0 [sflag:s8], $0x2000  }
0x5a: {  	[sflag:s8] =	ssyncset.done @!p0 $0x0  }
0x5b: {  	[sflag:s8] =	ssyncadd.s32 @!p0 $0xFFFFE000  }
0x5c: {  	_ =	swait.ge @!p0 [sflag:s8], $0x2000  }
0x5d: {  	[sflag:s8] =	ssyncset.done @!p0 $0x0  }
0x5e: {  	[sflag:s8] =	ssyncadd.s32 @!p0 $0xFFFFE000  }
0x5f: {  	_ =	swait.ge @!p0 [sflag:s8], $0x2000  }
0x60: {  	[sflag:s8] =	ssyncset.done @!p0 $0x0  }
0x61: {  	[sflag:s8] =	ssyncadd.s32 @!p0 $0xFFFFE000  }
0x62: {  	_ =	swait.ge @!p0 [sflag:s8], $0x2000  }
0x63: {  	[sflag:s8] =	ssyncset.done @!p0 $0x0  }
0x64: {  	[sflag:s8] =	ssyncadd.s32 @!p0 $0xFFFFE000  }
0x65: {  	_ =	swait.ge @!p0 [sflag:s8], $0x2000  }
0x66: {  	[sflag:s8] =	ssyncset.done @!p0 $0x0  }
0x67: {  	[sflag:s8] =	ssyncadd.s32 @!p0 $0xFFFFE000  }
0x68: {  	_ =	swait.ge @!p0 [sflag:s8], $0x2000  }
0x69: {  	[sflag:s8] =	ssyncset.done @!p0 $0x0  }
0x6a: {  	[sflag:s8] =	ssyncadd.s32 @!p0 $0xFFFFE000  }
0x6b: {  	_ =	swait.ge @!p0 [sflag:s8], $0x2000  }
0x6c: {  	[sflag:s8] =	ssyncset.done @!p0 $0x0  }
0x6d: {  	[sflag:s8] =	ssyncadd.s32 @!p0 $0xFFFFE000  }
0x6e: {  	_ =	swait.ge @!p0 [sflag:s8], $0x2000  }
0x6f: {  	[sflag:s8] =	ssyncset.done @!p0 $0x0  }
0x70: {  	s9 =	rddreg [dreg:$0x6];
	[sflag:s8] =	ssyncadd.s32 @!p0 $0xFFFFE000  }
0x71: {  	[hbm4b:s9+s17] =	stream.linear.scatter @!p0 [tilespmem:s19], [sflag:$0x2], $0x10000, $0x38;
	[tilespmem:$0x10400] =	vst v63  }
0x72: {  	s9 =	sadd.s32 $0xFFFFFFFF, s10  }
0x73: {  	p2 =	sne.s32 s9, $0x0  }
.Ltmp1:
0x74: {  	_ = 	snop;
	(pc) =	sbr.rel @!p2 .LBB2_2-.Ltmp1, $3  }
0x75: {  	_ =	sdelay $0x1  }
0x76: {  	p1 =	por $0x1, $0x1  }
0x77: {  	s14 =	simm.s32 $0x380;
	s15 =	simm.s32 $0xE400;
	_ =	swait.ge @!p0 [sflag:s16], $0x10000  }
.LBB2_3:
0x78: {  	[sflag:s16] =	ssyncset.done @!p0 $0x0  }
0x79: {  	s10 =	rddreg [dreg:$0x3];
	[sflag:s16] =	ssyncadd.s32 @!p0 $0xFFFF0000  }
0x7a: {  	[tilespmem:s3], [sflag:$0x2] =	stream.linear.gather [hbm4b:s10+s3], $0x400, $0x38;
	[tilespmem:$0x10400] =	vst v63  }
0x7b: {  	_ =	swait.ge [sflag:s4], $0x400  }
0x7c: {  	[sflag:s4] =	ssyncset.done $0x0;
	s10 =	rddreg [dreg:$0x8]  }
0x7d: {  	s11 =	rddreg [dreg:$0x7];
	[sflag:s4] =	ssyncadd.s32 $0xFFFFFC00  }
0x7e: {  	[tilespmem:s5], [sflag:$0x1] =	stream.indirect.gather [hbm4b:s2+s7], $0x40, s3, s7, $0xb8;
	[tilespmem:$0x10400] =	vst v63  }
0x7f: {  	s12 =	rddreg [dreg:$0x9]  }
0x80: {  	[tilespmem:s11], [sflag:$0x1] =	stream.indirect.gather [hbm4b:s2+s7], $0x40, s7, s7, $0xb8;
	[tilespmem:$0x10400] =	vst v63  }
0x81: {  	s13 =	rddreg [dreg:$0xb]  }
0x82: {  	[tilespmem:s12], [sflag:$0x1] =	stream.indirect.gather [hbm4b:s2+s7], $0x40, s10, s7, $0xb8;
	[tilespmem:$0x10400] =	vst v63  }
0x83: {  	s11 =	rddreg [dreg:$0xa]  }
0x84: {  	[tilespmem:s13], [sflag:$0x1] =	stream.indirect.gather [hbm4b:s2+s7], $0x40, s11, s7, $0xb8;
	[tilespmem:$0x10400] =	vst v63  }
0x85: {  	s12 =	simm.s32 $0x200;
	s13 =	simm.s32 $0x8400  }
0x86: {  	[tilespmem:s13], [sflag:$0x1] =	stream.indirect.gather [hbm4b:s2+s7], $0x40, s12, s7, $0xb8;
	[tilespmem:$0x10400] =	vst v63  }
0x87: {  	s10 =	simm.s32 $0x280;
	s11 =	simm.s32 $0xA400  }
0x88: {  	[tilespmem:s11], [sflag:$0x1] =	stream.indirect.gather [hbm4b:s2+s7], $0x40, s10, s7, $0xb8;
	[tilespmem:$0x10400] =	vst v63  }
0x89: {  	s10 =	simm.s32 $0x300;
	s11 =	simm.s32 $0xC400  }
0x8a: {  	[tilespmem:s11], [sflag:$0x1] =	stream.indirect.gather [hbm4b:s2+s7], $0x40, s10, s7, $0xb8;
	[tilespmem:$0x10400] =	vst v63  }
0x8b: {  	_ = 	snop  }
0x8c: {  	[tilespmem:s15], [sflag:$0x1] =	stream.indirect.gather [hbm4b:s2+s7], $0x40, s14, s7, $0xb8;
	[tilespmem:$0x10400] =	vst v63  }
0x8d: {  	_ =	swait.ge [sflag:s6], $0x2000  }
0x8e: {  	[sflag:s6] =	ssyncset.done $0x0  }
0x8f: {  	[sflag:s6] =	ssyncadd.s32 $0xFFFFE000  }
0x90: {  	_ =	swait.ge [sflag:s6], $0x2000  }
0x91: {  	[sflag:s6] =	ssyncset.done $0x0  }
0x92: {  	[sflag:s6] =	ssyncadd.s32 $0xFFFFE000  }
0x93: {  	_ =	swait.ge [sflag:s6], $0x2000  }
0x94: {  	[sflag:s6] =	ssyncset.done $0x0  }
0x95: {  	[sflag:s6] =	ssyncadd.s32 $0xFFFFE000  }
0x96: {  	_ =	swait.ge [sflag:s6], $0x2000  }
0x97: {  	[sflag:s6] =	ssyncset.done $0x0  }
0x98: {  	[sflag:s6] =	ssyncadd.s32 $0xFFFFE000  }
0x99: {  	_ =	swait.ge [sflag:s6], $0x2000  }
0x9a: {  	[sflag:s6] =	ssyncset.done $0x0  }
0x9b: {  	[sflag:s6] =	ssyncadd.s32 $0xFFFFE000  }
0x9c: {  	_ =	swait.ge [sflag:s6], $0x2000  }
0x9d: {  	[sflag:s6] =	ssyncset.done $0x0  }
0x9e: {  	[sflag:s6] =	ssyncadd.s32 $0xFFFFE000  }
0x9f: {  	_ =	swait.ge [sflag:s6], $0x2000  }
0xa0: {  	[sflag:s6] =	ssyncset.done $0x0  }
0xa1: {  	[sflag:s6] =	ssyncadd.s32 $0xFFFFE000  }
0xa2: {  	_ =	swait.ge [sflag:s6], $0x2000  }
0xa3: {  	[sflag:s6] =	ssyncset.done $0x0  }
0xa4: {  	s11 =	rddreg [dreg:$0x4];
	[sflag:s6] =	ssyncadd.s32 $0xFFFFE000  }
0xa5: {  	[hbm4b:s11+s3] =	stream.linear.scatter [tilespmem:s5], [sflag:$0x2], $0x10000, $0x38;
	[tilespmem:$0x10400] =	vst v63  }
0xa6: {  	_ =	swait.ge [sflag:s4], $0x10000  }
0xa7: {  	[sflag:s4] =	ssyncset.done $0x0  }
0xa8: {  	s10 =	rddreg [dreg:$0x5];
	[sflag:s4] =	ssyncadd.s32 $0xFFFF0000  }
0xa9: {  	[tilespmem:s17], [sflag:$0x2] =	stream.linear.gather @!p0 [hbm4b:s10+s17], $0x400, $0x38;
	[tilespmem:$0x10400] =	vst v63  }
0xaa: {  	_ =	swait.ge @!p0 [sflag:s16], $0x400  }
0xab: {  	[sflag:s16] =	ssyncset.done @!p0 $0x0  }
0xac: {  	[sflag:s16] =	ssyncadd.s32 @!p0 $0xFFFFFC00  }
0xad: {  	[tilespmem:s19], [sflag:$0x1] =	stream.indirect.gather @!p0 [hbm4b:s2+s18], $0x40, s17, s18, $0xb8;
	[tilespmem:$0x10400] =	vst v63  }
0xae: {  	_ = 	snop  }
0xaf: {  	[tilespmem:s20], [sflag:$0x1] =	stream.indirect.gather @!p0 [hbm4b:s2+s18], $0x40, s18, s18, $0xb8;
	[tilespmem:$0x10400] =	vst v63  }
0xb0: {  	_ = 	snop  }
0xb1: {  	[tilespmem:s22], [sflag:$0x1] =	stream.indirect.gather @!p0 [hbm4b:s2+s18], $0x40, s21, s18, $0xb8;
	[tilespmem:$0x10400] =	vst v63  }
0xb2: {  	_ = 	snop  }
0xb3: {  	[tilespmem:s24], [sflag:$0x1] =	stream.indirect.gather @!p0 [hbm4b:s2+s18], $0x40, s23, s18, $0xb8;
	[tilespmem:$0x10400] =	vst v63  }
0xb4: {  	_ = 	snop  }
0xb5: {  	[tilespmem:s26], [sflag:$0x1] =	stream.indirect.gather @!p0 [hbm4b:s2+s18], $0x40, s25, s18, $0xb8;
	[tilespmem:$0x10400] =	vst v63  }
0xb6: {  	_ = 	snop  }
0xb7: {  	[tilespmem:s29], [sflag:$0x1] =	stream.indirect.gather @!p0 [hbm4b:s2+s18], $0x40, s28, s18, $0xb8;
	[tilespmem:$0x10400] =	vst v63  }
0xb8: {  	_ = 	snop  }
0xb9: {  	[tilespmem:s31], [sflag:$0x1] =	stream.indirect.gather @!p0 [hbm4b:s2+s18], $0x40, s30, s18, $0xb8;
	[tilespmem:$0x10400] =	vst v63  }
0xba: {  	_ = 	snop  }
0xbb: {  	[tilespmem:s1], [sflag:$0x1] =	stream.indirect.gather @!p0 [hbm4b:s2+s18], $0x40, s0, s18, $0xb8;
	[tilespmem:$0x10400] =	vst v63  }
0xbc: {  	_ =	swait.ge @!p0 [sflag:s8], $0x2000  }
0xbd: {  	[sflag:s8] =	ssyncset.done @!p0 $0x0  }
0xbe: {  	[sflag:s8] =	ssyncadd.s32 @!p0 $0xFFFFE000  }
0xbf: {  	_ =	swait.ge @!p0 [sflag:s8], $0x2000  }
0xc0: {  	[sflag:s8] =	ssyncset.done @!p0 $0x0  }
0xc1: {  	[sflag:s8] =	ssyncadd.s32 @!p0 $0xFFFFE000  }
0xc2: {  	_ =	swait.ge @!p0 [sflag:s8], $0x2000  }
0xc3: {  	[sflag:s8] =	ssyncset.done @!p0 $0x0  }
0xc4: {  	[sflag:s8] =	ssyncadd.s32 @!p0 $0xFFFFE000  }
0xc5: {  	_ =	swait.ge @!p0 [sflag:s8], $0x2000  }
0xc6: {  	[sflag:s8] =	ssyncset.done @!p0 $0x0  }
0xc7: {  	[sflag:s8] =	ssyncadd.s32 @!p0 $0xFFFFE000  }
0xc8: {  	_ =	swait.ge @!p0 [sflag:s8], $0x2000  }
0xc9: {  	[sflag:s8] =	ssyncset.done @!p0 $0x0  }
0xca: {  	[sflag:s8] =	ssyncadd.s32 @!p0 $0xFFFFE000  }
0xcb: {  	_ =	swait.ge @!p0 [sflag:s8], $0x2000  }
0xcc: {  	[sflag:s8] =	ssyncset.done @!p0 $0x0  }
0xcd: {  	[sflag:s8] =	ssyncadd.s32 @!p0 $0xFFFFE000  }
0xce: {  	_ =	swait.ge @!p0 [sflag:s8], $0x2000  }
0xcf: {  	s9 =	sadd.s32 $0xFFFFFFFF, s9;
	[sflag:s8] =	ssyncset.done @!p0 $0x0  }
0xd0: {  	p2 =	sne.s32 s9, $0x0;
	[sflag:s8] =	ssyncadd.s32 @!p0 $0xFFFFE000  }
.Ltmp2:
0xd1: {  	_ =	swait.ge @!p0 [sflag:s8], $0x2000;
	(pc) =	sbr.rel @p2 .LBB2_3-.Ltmp2, $4  }
0xd2: {  	[sflag:s8] =	ssyncset.done @!p0 $0x0  }
0xd3: {  	s10 =	rddreg [dreg:$0x6];
	[sflag:s8] =	ssyncadd.s32 @!p0 $0xFFFFE000  }
0xd4: {  	[hbm4b:s10+s17] =	stream.linear.scatter @!p0 [tilespmem:s19], [sflag:$0x2], $0x10000, $0x38;
	[tilespmem:$0x10400] =	vst v63  }
0xd5: {  	_ =	swait.ge @!p0 [sflag:s16], $0x10000  }
0xd6: {  	s10 =	rddreg [dreg:$0x2];
	s11 =	stileid.u32  }
0xd7: {  	s14 =	simm.s32 $0x280;
	s15 =	simm.s32 $0xA400;
	s17 =	simm.s32 $0x300  }
0xd8: {  	s18 =	simm.s32 $0xC400;
	s19 =	simm.s32 $0x380;
	s20 =	simm.s32 $0xE400  }
.LBB2_5:
0xd9: {  	p1 =	por p0, !p1  }
0xda: {  	[sflag:s16] =	ssyncset.done @!p1 $0x0  }
0xdb: {  	s0 =	rddreg [dreg:$0x3];
	[sflag:s16] =	ssyncadd.s32 @!p1 $0xFFFF0000  }
0xdc: {  	[tilespmem:s3], [sflag:$0x2] =	stream.linear.gather [hbm4b:s0+s3], $0x400, $0x38;
	[tilespmem:$0x10400] =	vst v63  }
0xdd: {  	_ =	swait.ge [sflag:s4], $0x400  }
0xde: {  	s29 =	rddreg [dreg:$0x8];
	[sflag:s4] =	ssyncset.done $0x0  }
0xdf: {  	s1 =	rddreg [dreg:$0x7];
	[sflag:s4] =	ssyncadd.s32 $0xFFFFFC00  }
0xe0: {  	[tilespmem:s5], [sflag:$0x1] =	stream.indirect.gather [hbm4b:s2+s7], $0x40, s3, s7, $0xb8;
	[tilespmem:$0x10400] =	vst v63  }
0xe1: {  	s8 =	rddreg [dreg:$0x9]  }
0xe2: {  	[tilespmem:s1], [sflag:$0x1] =	stream.indirect.gather [hbm4b:s2+s7], $0x40, s7, s7, $0xb8;
	[tilespmem:$0x10400] =	vst v63  }
0xe3: {  	s9 =	rddreg [dreg:$0xb]  }
0xe4: {  	[tilespmem:s8], [sflag:$0x1] =	stream.indirect.gather [hbm4b:s2+s7], $0x40, s29, s7, $0xb8;
	[tilespmem:$0x10400] =	vst v63  }
0xe5: {  	s30 =	rddreg [dreg:$0xa]  }
0xe6: {  	[tilespmem:s9], [sflag:$0x1] =	stream.indirect.gather [hbm4b:s2+s7], $0x40, s30, s7, $0xb8;
	[tilespmem:$0x10400] =	vst v63  }
0xe7: {  	_ = 	snop  }
0xe8: {  	[tilespmem:s13], [sflag:$0x1] =	stream.indirect.gather [hbm4b:s2+s7], $0x40, s12, s7, $0xb8;
	[tilespmem:$0x10400] =	vst v63  }
0xe9: {  	_ = 	snop  }
0xea: {  	[tilespmem:s15], [sflag:$0x1] =	stream.indirect.gather [hbm4b:s2+s7], $0x40, s14, s7, $0xb8;
	[tilespmem:$0x10400] =	vst v63  }
0xeb: {  	_ = 	snop  }
0xec: {  	[tilespmem:s18], [sflag:$0x1] =	stream.indirect.gather [hbm4b:s2+s7], $0x40, s17, s7, $0xb8;
	[tilespmem:$0x10400] =	vst v63  }
0xed: {  	_ = 	snop  }
0xee: {  	[tilespmem:s20], [sflag:$0x1] =	stream.indirect.gather [hbm4b:s2+s7], $0x40, s19, s7, $0xb8;
	[tilespmem:$0x10400] =	vst v63  }
0xef: {  	_ =	swait.ge [sflag:s6], $0x2000  }
0xf0: {  	[sflag:s6] =	ssyncset.done $0x0  }
0xf1: {  	[sflag:s6] =	ssyncadd.s32 $0xFFFFE000  }
0xf2: {  	_ =	swait.ge [sflag:s6], $0x2000  }
0xf3: {  	[sflag:s6] =	ssyncset.done $0x0  }
0xf4: {  	[sflag:s6] =	ssyncadd.s32 $0xFFFFE000  }
0xf5: {  	_ =	swait.ge [sflag:s6], $0x2000  }
0xf6: {  	[sflag:s6] =	ssyncset.done $0x0  }
0xf7: {  	[sflag:s6] =	ssyncadd.s32 $0xFFFFE000  }
0xf8: {  	_ =	swait.ge [sflag:s6], $0x2000  }
0xf9: {  	[sflag:s6] =	ssyncset.done $0x0  }
0xfa: {  	[sflag:s6] =	ssyncadd.s32 $0xFFFFE000  }
0xfb: {  	_ =	swait.ge [sflag:s6], $0x2000  }
0xfc: {  	[sflag:s6] =	ssyncset.done $0x0  }
0xfd: {  	[sflag:s6] =	ssyncadd.s32 $0xFFFFE000  }
0xfe: {  	_ =	swait.ge [sflag:s6], $0x2000  }
0xff: {  	[sflag:s6] =	ssyncset.done $0x0  }
0x100: {  	[sflag:s6] =	ssyncadd.s32 $0xFFFFE000  }
0x101: {  	_ =	swait.ge [sflag:s6], $0x2000  }
0x102: {  	[sflag:s6] =	ssyncset.done $0x0  }
0x103: {  	[sflag:s6] =	ssyncadd.s32 $0xFFFFE000  }
0x104: {  	_ =	swait.ge [sflag:s6], $0x2000  }
0x105: {  	[sflag:s6] =	ssyncset.done $0x0  }
0x106: {  	s31 =	rddreg [dreg:$0x4];
	[sflag:s6] =	ssyncadd.s32 $0xFFFFE000  }
0x107: {  	[hbm4b:s31+s3] =	stream.linear.scatter [tilespmem:s5], [sflag:$0x2], $0x10000, $0x38;
	[tilespmem:$0x10400] =	vst v63  }
0x108: {  	_ =	swait.ge [sflag:s4], $0x10000  }
0x109: {  	s1 =	simm.s32 @!p0 $0x0;
	[sflag:s4] =	ssyncset.done $0x0  }
0x10a: {  	s3 =	simm.s32 @!p0 $0x2;
	s0 =	rddreg [dreg:$0x5];
	[sflag:s4] =	ssyncadd.s32 $0xFFFF0000  }
0x10b: {  	[tilespmem:s1], [sflag:$0x2] =	stream.linear.gather @!p0 [hbm4b:s0+s1], $0x400, $0x38;
	[tilespmem:$0x10400] =	vst v63  }
0x10c: {  	_ =	swait.ge @!p0 [sflag:s3], $0x400  }
0x10d: {  	[sflag:s3] =	ssyncset.done @!p0 $0x0  }
0x10e: {  	s4 =	simm.s32 @!p0 $0x400;
	s0 =	simm.s32 @!p0 $0x80;
	[sflag:s3] =	ssyncadd.s32 @!p0 $0xFFFFFC00  }
0x10f: {  	[tilespmem:s4], [sflag:$0x1] =	stream.indirect.gather @!p0 [hbm4b:s2+s0], $0x40, s1, s0, $0xb8;
	[tilespmem:$0x10400] =	vst v63  }
0x110: {  	s5 =	simm.s32 @!p0 $0x2400  }
0x111: {  	[tilespmem:s5], [sflag:$0x1] =	stream.indirect.gather @!p0 [hbm4b:s2+s0], $0x40, s0, s0, $0xb8;
	[tilespmem:$0x10400] =	vst v63  }
0x112: {  	s6 =	simm.s32 @!p0 $0x4400;
	s5 =	simm.s32 @!p0 $0x100  }
0x113: {  	[tilespmem:s6], [sflag:$0x1] =	stream.indirect.gather @!p0 [hbm4b:s2+s0], $0x40, s5, s0, $0xb8;
	[tilespmem:$0x10400] =	vst v63  }
0x114: {  	s5 =	simm.s32 @!p0 $0x180;
	s6 =	simm.s32 @!p0 $0x6400  }
0x115: {  	[tilespmem:s6], [sflag:$0x1] =	stream.indirect.gather @!p0 [hbm4b:s2+s0], $0x40, s5, s0, $0xb8;
	[tilespmem:$0x10400] =	vst v63  }
0x116: {  	s5 =	simm.s32 @!p0 $0x200;
	s6 =	simm.s32 @!p0 $0x8400  }
0x117: {  	[tilespmem:s6], [sflag:$0x1] =	stream.indirect.gather @!p0 [hbm4b:s2+s0], $0x40, s5, s0, $0xb8;
	[tilespmem:$0x10400] =	vst v63  }
0x118: {  	s5 =	simm.s32 @!p0 $0x280;
	s6 =	simm.s32 @!p0 $0xA400  }
0x119: {  	[tilespmem:s6], [sflag:$0x1] =	stream.indirect.gather @!p0 [hbm4b:s2+s0], $0x40, s5, s0, $0xb8;
	[tilespmem:$0x10400] =	vst v63  }
0x11a: {  	s5 =	simm.s32 @!p0 $0x300;
	s6 =	simm.s32 @!p0 $0xC400  }
0x11b: {  	[tilespmem:s6], [sflag:$0x1] =	stream.indirect.gather @!p0 [hbm4b:s2+s0], $0x40, s5, s0, $0xb8;
	[tilespmem:$0x10400] =	vst v63  }
0x11c: {  	s7 =	simm.s32 @!p0 $0x1;
	s5 =	simm.s32 @!p0 $0x380;
	s6 =	simm.s32 @!p0 $0xE400  }
0x11d: {  	[tilespmem:s6], [sflag:$0x1] =	stream.indirect.gather @!p0 [hbm4b:s2+s0], $0x40, s5, s0, $0xb8;
	[tilespmem:$0x10400] =	vst v63  }
0x11e: {  	_ =	swait.ge @!p0 [sflag:s7], $0x2000  }
0x11f: {  	[sflag:s7] =	ssyncset.done @!p0 $0x0  }
0x120: {  	[sflag:s7] =	ssyncadd.s32 @!p0 $0xFFFFE000  }
0x121: {  	_ =	swait.ge @!p0 [sflag:s7], $0x2000  }
0x122: {  	[sflag:s7] =	ssyncset.done @!p0 $0x0  }
0x123: {  	[sflag:s7] =	ssyncadd.s32 @!p0 $0xFFFFE000  }
0x124: {  	_ =	swait.ge @!p0 [sflag:s7], $0x2000  }
0x125: {  	[sflag:s7] =	ssyncset.done @!p0 $0x0  }
0x126: {  	[sflag:s7] =	ssyncadd.s32 @!p0 $0xFFFFE000  }
0x127: {  	_ =	swait.ge @!p0 [sflag:s7], $0x2000  }
0x128: {  	[sflag:s7] =	ssyncset.done @!p0 $0x0  }
0x129: {  	[sflag:s7] =	ssyncadd.s32 @!p0 $0xFFFFE000  }
0x12a: {  	_ =	swait.ge @!p0 [sflag:s7], $0x2000  }
0x12b: {  	[sflag:s7] =	ssyncset.done @!p0 $0x0  }
0x12c: {  	[sflag:s7] =	ssyncadd.s32 @!p0 $0xFFFFE000  }
0x12d: {  	_ =	swait.ge @!p0 [sflag:s7], $0x2000  }
0x12e: {  	[sflag:s7] =	ssyncset.done @!p0 $0x0  }
0x12f: {  	[sflag:s7] =	ssyncadd.s32 @!p0 $0xFFFFE000  }
0x130: {  	_ =	swait.ge @!p0 [sflag:s7], $0x2000  }
0x131: {  	[sflag:s7] =	ssyncset.done @!p0 $0x0  }
0x132: {  	[sflag:s7] =	ssyncadd.s32 @!p0 $0xFFFFE000  }
0x133: {  	_ =	swait.ge @!p0 [sflag:s7], $0x2000  }
0x134: {  	[sflag:s7] =	ssyncset.done @!p0 $0x0  }
0x135: {  	s0 =	rddreg [dreg:$0x6];
	[sflag:s7] =	ssyncadd.s32 @!p0 $0xFFFFE000  }
0x136: {  	[hbm4b:s0+s1] =	stream.linear.scatter @!p0 [tilespmem:s4], [sflag:$0x2], $0x10000, $0x38;
	[tilespmem:$0x10400] =	vst v63  }
0x137: {  	_ =	swait.ge @!p0 [sflag:s3], $0x10000  }
0x138: {  	[sflag:s3] =	ssyncset.done @!p0 $0x0  }
0x139: {  	[sflag:s3] =	ssyncadd.s32 @!p0 $0xFFFF0000  }
0x13a: {  	_ =	sfence.sel $0x180000  }
0x13b: {  	[bflag:$0x0] =	sbarrier.arrive $0xFFFF  }
0x13c: {  	p0 =	sne.s32 s11, $0x0;
	_ =	strace $0x90000047  }
0x13d: {  	s0 =	sadd.s32 @!p0 $0x100000, s10;
	[bflag:$0x2] =	sbarrier.arrive $0xFFFF  }
0x13e: {  	[sflag:s0] =	ssyncadd.tile.s32 @!p0 $0x1;
	_ =	shalt  }
.LBB2_2:
.Ltmp3:
0x13f: {  	(pc) =	sbr.rel .LBB2_5-.Ltmp3, $4  }
0x140: {  	_ = 	snop  }
0x141: {  	s10 =	rddreg [dreg:$0x2];
	s11 =	stileid.u32  }
0x142: {  	s14 =	simm.s32 $0x280;
	s15 =	simm.s32 $0xA400;
	s17 =	simm.s32 $0x300  }
0x143: {  	s18 =	simm.s32 $0xC400;
	s19 =	simm.s32 $0x380;
	s20 =	simm.s32 $0xE400  }
.Lfunc_end2:
_tile_overlayer_lowered:
.L_overlay_start_2:
0x144: {  	(tag) =	ssettag $0x2  }
0x145: {  	s0 =	rddreg [dreg:$0x0];
	s2 =	stileid.u32  }
0x146: {  	s1 =	rddreg [dreg:$0x1];
	p0 =	sne.s32 s2, $0x0  }
0x147: {  	s3 =	rddreg [dreg:$0x2];
	[bflag:$0x3] =	sbarrier.arrive $0xFFFF;
	s2 =	simm.s32 @!p0 $0x1C02  }
0x148: {  	[timem:s3], [sflag:s2] =	dma.local @!p0 [hbm:s0], s1  }
0x149: {  	s0 =	simm.s32 @!p0 $0x2  }
0x14a: {  	_ =	swait.ge @!p0 [sflag:s0], s1  }
0x14b: {  	s1 =	ssub.s32 @!p0 $0x0, s1;
	[sflag:s0] =	ssyncset.done @!p0 $0x0  }
0x14c: {  	[sflag:s0] =	ssyncadd.s32 @!p0 s1  }
0x14d: {  	[bflag:$0x3] =	sbarrier.arrive $0xFFFF  }
0x14e: {  	_ =	shalt  }

</sc_bundles>
